<compile_context>
chip_gen: v7x
topology: tpu7x:2x2x1
jax: 0.10.2.dev20260603
libtpu: 0.0.44.dev20260713+nightly
codegen_flags: <defaults>
</compile_context>

<pallas_src>
import functools
import math

import jax
import jax.numpy as jnp
from jax import lax
from jax.experimental import pallas as pl
from jax.experimental.pallas import tpu as pltpu
from jax.experimental.pallas import tpu_sc as plsc

N = 10000
E = 320000
D = 128
L = 16
NC, NS = 2, 16
NW = NC * NS
EP = E // NW
NPAD = 10240
NT = NPAD // NW
GW = 80
NGC = NT // GW
DST_BITS = 14
BLK = 400

_mesh = plsc.VectorSubcoreMesh(core_axis_name="c", subcore_axis_name="s")


def _wid():
    return lax.axis_index("s") * NC + lax.axis_index("c")


@functools.partial(
    pl.kernel,
    mesh=_mesh,
    compiler_params=pltpu.CompilerParams(needs_layout_passes=False),
    out_type=jax.ShapeDtypeStruct((NW, NPAD), jnp.int32),
    scratch_types=[
        pltpu.VMEM((EP,), jnp.int32),
        pltpu.VMEM((EP,), jnp.int32),
        pltpu.VMEM((NPAD,), jnp.int32),
        pltpu.SemaphoreType.DMA,
        pltpu.SemaphoreType.DMA,
    ],
)
def _sc_build(src_hbm, dst_hbm, tbl_hbm, src_v, dst_v, win_v, ssem, dsem):
    wid = _wid()
    base = wid * EP
    scp = pltpu.async_copy(src_hbm.at[pl.ds(base, EP)], src_v, ssem)
    dcp = pltpu.async_copy(dst_hbm.at[pl.ds(base, EP)], dst_v, dsem)

    neg1 = jnp.full((L,), -1, jnp.int32)

    def init_body(i, _):
        win_v[pl.ds(i * L, L)] = neg1
        return 0

    lax.fori_loop(0, NPAD // L, init_body, 0)
    scp.wait()
    dcp.wait()

    iota = lax.broadcasted_iota(jnp.int32, (L,), 0)

    def edge_body(i, _):
        sl = pl.ds(i * L, L)
        srcv = src_v[sl]
        pv = ((i * L + iota) << DST_BITS) | dst_v[sl]
        plsc.store_scatter(win_v, [srcv], pv)
        return 0

    lax.fori_loop(0, EP // L, edge_body, 0)
    pltpu.sync_copy(win_v, tbl_hbm.at[wid])


@functools.partial(
    pl.kernel,
    mesh=_mesh,
    compiler_params=pltpu.CompilerParams(
        needs_layout_passes=False, use_tc_tiling_on_sc=False),
    out_type=(
        jax.ShapeDtypeStruct((NPAD,), jnp.int32),
        jax.ShapeDtypeStruct((NPAD, D), jnp.float32),
    ),
    scratch_types=[
        pltpu.VMEM((NW, NT), jnp.int32),
        pltpu.VMEM((NT,), jnp.int32),
        pltpu.VMEM((NT,), jnp.int32),
        pltpu.VMEM((NT // 2, D), jnp.float32),
        pltpu.SemaphoreType.DMA,
        pltpu.VMEM_SHARED((N, D), jnp.float32),
        pltpu.SemaphoreType.DMA,
    ],
)
def _sc_merge_gather(tbl_hbm, x_hbm, m_out, hp_out, wa_v, m_v, d_v, rows_v, sem,
                     x_sh, fsem):
    def scoped():
        wid = _wid()
        nbase = wid * NT

        @pl.when(lax.axis_index("s") == 0)
        def _():
            pltpu.async_copy(x_hbm, x_sh, fsem)

        pltpu.sync_copy(tbl_hbm.at[:, pl.ds(nbase, NT)], wa_v)

        def merge_body(j, _):
            sl = pl.ds(j * L, L)
            m = jnp.full((L,), -1, jnp.int32)
            for k in range(NW):
                t = wa_v[k, sl]
                m = jnp.where(t >= 0, t, m)
            m_v[sl] = m
            d_v[sl] = jnp.where(m >= 0, m & ((1 << DST_BITS) - 1), 0)
            return 0

        lax.fori_loop(0, NT // L, merge_body, 0)

        @pl.when(lax.axis_index("s") == 0)
        def _():
            pltpu.make_async_copy(x_hbm, x_sh, fsem).wait()

        plsc.subcore_barrier()

        pltpu.sync_copy(m_v, m_out.at[pl.ds(nbase, NT)])
        for h in range(2):
            copies = [
                pltpu.async_copy(
                    x_sh.at[d_v.at[pl.ds(h * (NT // 2) + g * GW, GW)]],
                    rows_v.at[pl.ds(g * GW, GW)],
                    sem,
                )
                for g in range(NGC // 2)
            ]
            for cp in copies:
                cp.wait()
            pltpu.sync_copy(rows_v, hp_out.at[pl.ds(nbase + h * (NT // 2), NT // 2)])

    scoped()


def _dense_body(x_ref, hp_ref, m_ref, w1_ref, b1_ref, w2_ref, b2_ref,
                g_ref, be_ref, o_ref):
    x = x_ref[...]
    s = x + hp_ref[...]
    g = g_ref[...]
    be = be_ref[...]
    mu = jnp.mean(s, axis=1, keepdims=True)
    var = jnp.mean((s - mu) ** 2, axis=1, keepdims=True)
    c = (s - mu) * lax.rsqrt(var + 1e-5) * g + be
    t = lax.dot_general(c, w1_ref[...], (((1,), (1,)), ((), ())),
                        preferred_element_type=jnp.float32) + b1_ref[...]
    t = 0.5 * t * (1.0 + lax.erf(t / math.sqrt(2.0)))
    f = lax.dot_general(t, w2_ref[...], (((1,), (1,)), ((), ())),
                        preferred_element_type=jnp.float32) + b2_ref[...] + c
    mu2 = jnp.mean(f, axis=1, keepdims=True)
    var2 = jnp.mean((f - mu2) ** 2, axis=1, keepdims=True)
    h = (f - mu2) * lax.rsqrt(var2 + 1e-5) * g + be
    o_ref[...] = jnp.where(m_ref[...] >= 0, h, x)


def _dense(x, hp, m, w1, b1, w2, b2, ln_g, ln_b):
    row = lambda i: (i, 0)
    rep = lambda i: (0, 0)
    return pl.pallas_call(
        _dense_body,
        grid=(N // BLK,),
        in_specs=[
            pl.BlockSpec((BLK, D), row),
            pl.BlockSpec((BLK, D), row),
            pl.BlockSpec((BLK, 1), row),
            pl.BlockSpec((D, D), rep),
            pl.BlockSpec((1, D), rep),
            pl.BlockSpec((D, D), rep),
            pl.BlockSpec((1, D), rep),
            pl.BlockSpec((1, D), rep),
            pl.BlockSpec((1, D), rep),
        ],
        out_specs=pl.BlockSpec((BLK, D), row),
        out_shape=jax.ShapeDtypeStruct((N, D), jnp.float32),
    )(x, hp, m, w1, b1, w2, b2, ln_g, ln_b)


def kernel(x, edge_index, w1, b1, w2, b2, ln_g, ln_b):
    tbl = _sc_build(edge_index[0], edge_index[1])
    m, hp = _sc_merge_gather(tbl, x)
    out = _dense(x, hp, m[:, None], w1, b1[None, :], w2, b2[None, :],
                 ln_g[None, :], ln_b[None, :])
    return out

# --- scband reference (transcript-rebuilt; emitter-appended) ---
"""Pipeline reference for scband-tree-transformer-cell-topdown-86363202388293 (READ-ONLY COPY).

The authoritative reference and input builder live on the scoring server;
editing this copy changes nothing except your own understanding.
"""

import jax, jax.numpy as jnp
import numpy as np

N = 10000
E = 320000
D = 128
FF = 128


def layer_norm(x, gamma, beta, eps=1e-5):
    mu = jnp.mean(x, axis=-1, keepdims=True)
    var = jnp.var(x, axis=-1, keepdims=True)
    return (x - mu) / jnp.sqrt(var + eps) * gamma + beta


def setup_inputs(seed: int = 0) -> dict:
    key = jax.random.key(seed)
    ks = jax.random.split(key, 8)
    x = jax.random.normal(ks[0], (N, D), dtype=jnp.float32)
    edge_index = jax.random.randint(ks[1], (2, E), 0, N, dtype=jnp.int32)
    # PositionwiseFeedForward params; w_1/w_2 weights init uniform(-0.1, 0.1) as in module
    w1 = jax.random.uniform(ks[2], (FF, D), dtype=jnp.float32, minval=-0.1, maxval=0.1)
    b1 = jnp.zeros((FF,), dtype=jnp.float32)
    w2 = jax.random.uniform(ks[3], (D, FF), dtype=jnp.float32, minval=-0.1, maxval=0.1)
    b2 = jnp.zeros((D,), dtype=jnp.float32)
    ln_g = jnp.ones((D,), dtype=jnp.float32)
    ln_b = jnp.zeros((D,), dtype=jnp.float32)
    return {"x": x, "edge_index": edge_index, "w1": w1, "b1": b1, "w2": w2, "b2": b2, "ln_g": ln_g, "ln_b": ln_b}


def reference(x, edge_index, w1, b1, w2, b2, ln_g, ln_b):
    # DGL top-down message passing, flattened edge-wise (all ops are pointwise
    # over the feature dim, so mailbox padding is equivalent to flat edges):
    # message: h_child = h[src], children_ids = src
    # reduce:  c = LN(h[dst] + h_child); h_new = LN(FF(c)); h[src] = h_new
    src = edge_index[0]
    dst = edge_index[1]
    h_child = jnp.take(x, src, axis=0)    # gather (SparseCore)
    h_parent = jnp.take(x, dst, axis=0)   # gather (SparseCore)
    c = layer_norm(h_parent + h_child, ln_g, ln_b)
    t = c @ w1.T + b1
    t = jax.nn.gelu(t, approximate=False)  # torch F.gelu default = exact erf
    ff_out = t @ w2.T + b2 + c             # residual inside PositionwiseFeedForward
    h_new = layer_norm(ff_out, ln_g, ln_b)
    out = x.at[src].set(h_new)              # scatter-overwrite into ndata['h']
    return out

if __name__ == "__main__":
    import jax
    _d = setup_inputs()
    print(jax.jit(kernel)(*tuple(_d.values())))

</pallas_src>

<mosaic_0001>
#map = affine_map<(d0, d1) -> (0)>
#map1 = affine_map<(d0, d1) -> (0, 0)>
module attributes {stable_mosaic.version = 14 : i64} {
  func.func @_sc_build(%arg0: i32, %arg1: i32, %arg2: memref<320000xi32, #tpu.memory_space<hbm>>, %arg3: memref<320000xi32, #tpu.memory_space<hbm>>, %arg4: memref<32x10240xi32, #tpu.memory_space<hbm>>, %arg5: memref<10000xi32, #tpu.memory_space<vmem>>, %arg6: memref<10000xi32, #tpu.memory_space<vmem>>, %arg7: memref<10240xi32, #tpu.memory_space<vmem>>, %arg8: memref<!tpu.dma_semaphore, #tpu.memory_space<semaphore_mem>>, %arg9: memref<!tpu.dma_semaphore, #tpu.memory_space<semaphore_mem>>) attributes {dimension_semantics = [#tpu.dimension_semantics<core_parallel>, #tpu.dimension_semantics<subcore_parallel>], iteration_bounds = array<i64: 2, 16>, scalar_prefetch = 0 : i64, scratch_operands = 5 : i64, tpu.core_type = #tpu.core_type<sc_vector_subcore>, window_params = [{transform_indices = #map}, {transform_indices = #map}, {transform_indices = #map1}]} {
    %mul3A = arith.constant 2 : i32
    %mul3A_0 = arith.muli %arg1, %mul3A : i32
    %add3A = arith.addi %mul3A_0, %arg0 : i32
    %mul3A_1 = arith.constant 10000 : i32
    %mul3A_2 = arith.muli %add3A, %mul3A_1 : i32
    %dma_start3A = tpu.memref_slice %arg2[%mul3A_2] : memref<320000xi32, #tpu.memory_space<hbm>> -> memref<10000xi32, #tpu.memory_space<hbm>>
    %dma_start3A_3 = tpu.memref_slice %arg2[%mul3A_2] : memref<320000xi32, #tpu.memory_space<hbm>> -> memref<10000xi32, #tpu.memory_space<hbm>>
    tpu.enqueue_dma source(%dma_start3A_3 : memref<10000xi32, #tpu.memory_space<hbm>>) target(%arg5 : memref<10000xi32, #tpu.memory_space<vmem>>) target_semaphore(%arg8 : memref<!tpu.dma_semaphore, #tpu.memory_space<semaphore_mem>>)
    %dma_start3A_4 = tpu.memref_slice %arg3[%mul3A_2] : memref<320000xi32, #tpu.memory_space<hbm>> -> memref<10000xi32, #tpu.memory_space<hbm>>
    %dma_start3A_5 = tpu.memref_slice %arg3[%mul3A_2] : memref<320000xi32, #tpu.memory_space<hbm>> -> memref<10000xi32, #tpu.memory_space<hbm>>
    tpu.enqueue_dma source(%dma_start3A_5 : memref<10000xi32, #tpu.memory_space<hbm>>) target(%arg6 : memref<10000xi32, #tpu.memory_space<vmem>>) target_semaphore(%arg9 : memref<!tpu.dma_semaphore, #tpu.memory_space<semaphore_mem>>)
    %broadcast_in_dim3A = arith.constant -1 : i32
    %broadcast_in_dim3A_6 = vector.broadcast %broadcast_in_dim3A : i32 to vector<16xi32>
    %scan3A = arith.constant 0 : i32
    %scan3A_7 = arith.constant 0 : i32
    %scan3A_8 = arith.constant 640 : i32
    %scan3A_9 = arith.addi %scan3A_7, %scan3A_8 : i32
    %scan3A_10 = arith.constant 1 : i32
    %scan3A_11 = scf.for %scan3A_23 = %scan3A_7 to %scan3A_9 step %scan3A_10 iter_args(%scan3A_24 = %scan3A) -> (i32)  : i32 {
      %mul3A_25 = arith.constant 16 : i32
      %mul3A_26 = arith.muli %scan3A_23, %mul3A_25 : i32
      %swap3A = arith.index_cast %mul3A_26 : i32 to index
      %swap3A_27 = tpu.vector_load %arg7[%swap3A] {strides = array<i32>} : memref<10240xi32, #tpu.memory_space<vmem>>, vector<16xi32>,
      tpu.vector_store %arg7[%swap3A], %broadcast_in_dim3A_6 {strides = array<i32>} : memref<10240xi32, #tpu.memory_space<vmem>>, vector<16xi32>,
      %scan3A_28 = arith.constant 0 : i32
      scf.yield %scan3A_28 : i32
    }
    %scan3A_12 = arith.constant 640 : i32
    %dma_wait3A = tpu.memref_slice %arg2[%mul3A_2] : memref<320000xi32, #tpu.memory_space<hbm>> -> memref<10000xi32, #tpu.memory_space<hbm>>
    %dma_wait3A_13 = tpu.memref_slice %arg2[%mul3A_2] : memref<320000xi32, #tpu.memory_space<hbm>> -> memref<10000xi32, #tpu.memory_space<hbm>>
    tpu.wait_dma2 semaphore(%arg8 : memref<!tpu.dma_semaphore, #tpu.memory_space<semaphore_mem>>) src(%dma_wait3A_13 : memref<10000xi32, #tpu.memory_space<hbm>>) dst(%arg5 : memref<10000xi32, #tpu.memory_space<vmem>>)
    %dma_wait3A_14 = tpu.memref_slice %arg3[%mul3A_2] : memref<320000xi32, #tpu.memory_space<hbm>> -> memref<10000xi32, #tpu.memory_space<hbm>>
    %dma_wait3A_15 = tpu.memref_slice %arg3[%mul3A_2] : memref<320000xi32, #tpu.memory_space<hbm>> -> memref<10000xi32, #tpu.memory_space<hbm>>
    tpu.wait_dma2 semaphore(%arg9 : memref<!tpu.dma_semaphore, #tpu.memory_space<semaphore_mem>>) src(%dma_wait3A_15 : memref<10000xi32, #tpu.memory_space<hbm>>) dst(%arg6 : memref<10000xi32, #tpu.memory_space<vmem>>)
    %iota3A = tpu.iota {dimensions = array<i32: 0>} : vector<16xi32>
    %scan3A_16 = arith.constant 0 : i32
    %scan3A_17 = arith.constant 0 : i32
    %scan3A_18 = arith.constant 625 : i32
    %scan3A_19 = arith.addi %scan3A_17, %scan3A_18 : i32
    %scan3A_20 = arith.constant 1 : i32
    %scan3A_21 = scf.for %scan3A_23 = %scan3A_17 to %scan3A_19 step %scan3A_20 iter_args(%scan3A_24 = %scan3A_16) -> (i32)  : i32 {
      %mul3A_25 = arith.constant 16 : i32
      %mul3A_26 = arith.muli %scan3A_23, %mul3A_25 : i32
      %get3A = arith.index_cast %mul3A_26 : i32 to index
      %get3A_27 = tpu.vector_load %arg5[%get3A] {strides = array<i32>} : memref<10000xi32, #tpu.memory_space<vmem>>, vector<16xi32>,
      %mul3A_28 = arith.constant 16 : i32
      %mul3A_29 = arith.muli %scan3A_23, %mul3A_28 : i32
      %add3A_30 = vector.broadcast %mul3A_29 : i32 to vector<16xi32>
      %add3A_31 = arith.addi %add3A_30, %iota3A : vector<16xi32>
      %shift_left3A = arith.constant 14 : i32
      %shift_left3A_32 = vector.broadcast %shift_left3A : i32 to vector<16xi32>
      %shift_left3A_33 = arith.shli %add3A_31, %shift_left3A_32 : vector<16xi32>
      %get3A_34 = arith.index_cast %mul3A_26 : i32 to index
      %get3A_35 = tpu.vector_load %arg6[%get3A_34] {strides = array<i32>} : memref<10000xi32, #tpu.memory_space<vmem>>, vector<16xi32>,
      %or3A = arith.ori %shift_left3A_33, %get3A_35 : vector<16xi32>
      tpu.vector_store_idx %arg7[%get3A_27], %or3A : memref<10240xi32, #tpu.memory_space<vmem>>[vector<16xi32>], vector<16xi32>,
      %scan3A_36 = arith.constant 0 : i32
      scf.yield %scan3A_36 : i32
    }
    %scan3A_22 = arith.constant 625 : i32
    "tpu.region"() ({
      %run_scoped3A = tpu.sem_alloc : memref<!tpu.dma_semaphore, #tpu.memory_space<semaphore_mem>>
      %dma_start3A_23 = arith.constant 0 : i32
      %dma_start3A_24 = tpu.memref_slice %arg4[%add3A, %dma_start3A_23] : memref<32x10240xi32, #tpu.memory_space<hbm>> -> memref<1x10240xi32, #tpu.memory_space<hbm>>
      %dma_start3A_25 = tpu.memref_squeeze %dma_start3A_24 : memref<1x10240xi32, #tpu.memory_space<hbm>> -> memref<10240xi32, #tpu.memory_space<hbm>>
      %dma_start3A_26 = arith.constant 0 : i32
      %dma_start3A_27 = tpu.memref_slice %arg4[%add3A, %dma_start3A_26] : memref<32x10240xi32, #tpu.memory_space<hbm>> -> memref<1x10240xi32, #tpu.memory_space<hbm>>
      %dma_start3A_28 = tpu.memref_squeeze %dma_start3A_27 : memref<1x10240xi32, #tpu.memory_space<hbm>> -> memref<10240xi32, #tpu.memory_space<hbm>>
      tpu.enqueue_dma source(%arg7 : memref<10240xi32, #tpu.memory_space<vmem>>) target(%dma_start3A_28 : memref<10240xi32, #tpu.memory_space<hbm>>) target_semaphore(%run_scoped3A : memref<!tpu.dma_semaphore, #tpu.memory_space<semaphore_mem>>)
      %dma_wait3A_29 = arith.constant 0 : i32
      %dma_wait3A_30 = tpu.memref_slice %arg4[%add3A, %dma_wait3A_29] : memref<32x10240xi32, #tpu.memory_space<hbm>> -> memref<1x10240xi32, #tpu.memory_space<hbm>>
      %dma_wait3A_31 = tpu.memref_squeeze %dma_wait3A_30 : memref<1x10240xi32, #tpu.memory_space<hbm>> -> memref<10240xi32, #tpu.memory_space<hbm>>
      %dma_wait3A_32 = arith.constant 0 : i32
      %dma_wait3A_33 = tpu.memref_slice %arg4[%add3A, %dma_wait3A_32] : memref<32x10240xi32, #tpu.memory_space<hbm>> -> memref<1x10240xi32, #tpu.memory_space<hbm>>
      %dma_wait3A_34 = tpu.memref_squeeze %dma_wait3A_33 : memref<1x10240xi32, #tpu.memory_space<hbm>> -> memref<10240xi32, #tpu.memory_space<hbm>>
      tpu.wait_dma2 semaphore(%run_scoped3A : memref<!tpu.dma_semaphore, #tpu.memory_space<semaphore_mem>>) src(%arg7 : memref<10240xi32, #tpu.memory_space<vmem>>) dst(%dma_wait3A_34 : memref<10240xi32, #tpu.memory_space<hbm>>)
      tpu.yield
    }) : () -> ()
    return
  }
}

#map = affine_map<(d0, d1) -> (0, 0)>
#map1 = affine_map<(d0, d1) -> (0)>
module attributes {stable_mosaic.version = 14 : i64} {
  func.func @_sc_merge_gather(%arg0: i32, %arg1: i32, %arg2: memref<32x10240xi32, #tpu.memory_space<hbm>>, %arg3: memref<10000x128xf32, #tpu.memory_space<hbm>>, %arg4: memref<10240xi32, #tpu.memory_space<hbm>>, %arg5: memref<10240x128xf32, #tpu.memory_space<hbm>>, %arg6: memref<32x320xi32, #tpu.memory_space<vmem>>, %arg7: memref<320xi32, #tpu.memory_space<vmem>>, %arg8: memref<320xi32, #tpu.memory_space<vmem>>, %arg9: memref<160x128xf32, #tpu.memory_space<vmem>>, %arg10: memref<!tpu.dma_semaphore, #tpu.memory_space<semaphore_mem>>, %arg11: memref<10000x128xf32, #tpu.memory_space<vmem_shared>>, %arg12: memref<!tpu.dma_semaphore, #tpu.memory_space<semaphore_mem>>) attributes {dimension_semantics = [#tpu.dimension_semantics<core_parallel>, #tpu.dimension_semantics<subcore_parallel>], iteration_bounds = array<i64: 2, 16>, scalar_prefetch = 0 : i64, scratch_operands = 7 : i64, tpu.core_type = #tpu.core_type<sc_vector_subcore>, window_params = [{transform_indices = #map}, {transform_indices = #map}, {transform_indices = #map1}, {transform_indices = #map}]} {
    %mul3A = arith.constant 2 : i32
    %mul3A_0 = arith.muli %arg1, %mul3A : i32
    %add3A = arith.addi %mul3A_0, %arg0 : i32
    %mul3A_1 = arith.constant 320 : i32
    %mul3A_2 = arith.muli %add3A, %mul3A_1 : i32
    %eq3A = arith.constant 0 : i32
    %eq3A_3 = arith.cmpi eq, %arg1, %eq3A : i32
    %convert_element_type3A = arith.extui %eq3A_3 : i1 to i32
    %cond3A = arith.constant 0 : i32
    %cond3A_4 = arith.cmpi ne, %convert_element_type3A, %cond3A : i32
    scf.if %cond3A_4 {
      tpu.enqueue_dma source(%arg3 : memref<10000x128xf32, #tpu.memory_space<hbm>>) target(%arg11 : memref<10000x128xf32, #tpu.memory_space<vmem_shared>>) target_semaphore(%arg12 : memref<!tpu.dma_semaphore, #tpu.memory_space<semaphore_mem>>)
    } else {
    }
    "tpu.region"() ({
      %run_scoped3A = tpu.sem_alloc : memref<!tpu.dma_semaphore, #tpu.memory_space<semaphore_mem>>
      %dma_start3A_82 = arith.constant 0 : i32
      %dma_start3A_83 = tpu.memref_slice %arg2[%dma_start3A_82, %mul3A_2] : memref<32x10240xi32, #tpu.memory_space<hbm>> -> memref<32x320xi32, #tpu.memory_space<hbm>>
      %dma_start3A_84 = arith.constant 0 : i32
      %dma_start3A_85 = tpu.memref_slice %arg2[%dma_start3A_84, %mul3A_2] : memref<32x10240xi32, #tpu.memory_space<hbm>> -> memref<32x320xi32, #tpu.memory_space<hbm>>
      tpu.enqueue_dma source(%dma_start3A_85 : memref<32x320xi32, #tpu.memory_space<hbm>>) target(%arg6 : memref<32x320xi32, #tpu.memory_space<vmem>>) target_semaphore(%run_scoped3A : memref<!tpu.dma_semaphore, #tpu.memory_space<semaphore_mem>>)
      %dma_wait3A_86 = arith.constant 0 : i32
      %dma_wait3A_87 = tpu.memref_slice %arg2[%dma_wait3A_86, %mul3A_2] : memref<32x10240xi32, #tpu.memory_space<hbm>> -> memref<32x320xi32, #tpu.memory_space<hbm>>
      %dma_wait3A_88 = arith.constant 0 : i32
      %dma_wait3A_89 = tpu.memref_slice %arg2[%dma_wait3A_88, %mul3A_2] : memref<32x10240xi32, #tpu.memory_space<hbm>> -> memref<32x320xi32, #tpu.memory_space<hbm>>
      tpu.wait_dma2 semaphore(%run_scoped3A : memref<!tpu.dma_semaphore, #tpu.memory_space<semaphore_mem>>) src(%dma_wait3A_89 : memref<32x320xi32, #tpu.memory_space<hbm>>) dst(%arg6 : memref<32x320xi32, #tpu.memory_space<vmem>>)
      tpu.yield
    }) : () -> ()
    %scan3A = arith.constant 0 : i32
    %scan3A_5 = arith.constant 0 : i32
    %scan3A_6 = arith.constant 20 : i32
    %scan3A_7 = arith.addi %scan3A_5, %scan3A_6 : i32
    %scan3A_8 = arith.constant 1 : i32
    %scan3A_9 = scf.for %scan3A_82 = %scan3A_5 to %scan3A_7 step %scan3A_8 iter_args(%scan3A_83 = %scan3A) -> (i32)  : i32 {
      %mul3A_84 = arith.constant 16 : i32
      %mul3A_85 = arith.muli %scan3A_82, %mul3A_84 : i32
      %broadcast_in_dim3A = arith.constant -1 : i32
      %broadcast_in_dim3A_86 = vector.broadcast %broadcast_in_dim3A : i32 to vector<16xi32>
      %get3A = arith.constant 0 : i32
      %get3A_87 = arith.index_cast %get3A : i32 to index
      %get3A_88 = arith.index_cast %mul3A_85 : i32 to index
      %get3A_89 = tpu.vector_load %arg6[%get3A_87, %get3A_88] {strides = array<i32>} : memref<32x320xi32, #tpu.memory_space<vmem>>, vector<16xi32>,
      %ge3A = arith.constant 0 : i32
      %ge3A_90 = vector.broadcast %ge3A : i32 to vector<16xi32>
      %ge3A_91 = arith.cmpi sge, %get3A_89, %ge3A_90 : vector<16xi32>
      %select_n3A = arith.select %ge3A_91, %get3A_89, %broadcast_in_dim3A_86 : vector<16xi1>, vector<16xi32>
      %get3A_92 = arith.constant 1 : i32
      %get3A_93 = arith.index_cast %get3A_92 : i32 to index
      %get3A_94 = arith.index_cast %mul3A_85 : i32 to index
      %get3A_95 = tpu.vector_load %arg6[%get3A_93, %get3A_94] {strides = array<i32>} : memref<32x320xi32, #tpu.memory_space<vmem>>, vector<16xi32>,
      %ge3A_96 = arith.constant 0 : i32
      %ge3A_97 = vector.broadcast %ge3A_96 : i32 to vector<16xi32>
      %ge3A_98 = arith.cmpi sge, %get3A_95, %ge3A_97 : vector<16xi32>
      %select_n3A_99 = arith.select %ge3A_98, %get3A_95, %select_n3A : vector<16xi1>, vector<16xi32>
      %get3A_100 = arith.constant 2 : i32
      %get3A_101 = arith.index_cast %get3A_100 : i32 to index
      %get3A_102 = arith.index_cast %mul3A_85 : i32 to index
      %get3A_103 = tpu.vector_load %arg6[%get3A_101, %get3A_102] {strides = array<i32>} : memref<32x320xi32, #tpu.memory_space<vmem>>, vector<16xi32>,
      %ge3A_104 = arith.constant 0 : i32
      %ge3A_105 = vector.broadcast %ge3A_104 : i32 to vector<16xi32>
      %ge3A_106 = arith.cmpi sge, %get3A_103, %ge3A_105 : vector<16xi32>
      %select_n3A_107 = arith.select %ge3A_106, %get3A_103, %select_n3A_99 : vector<16xi1>, vector<16xi32>
      %get3A_108 = arith.constant 3 : i32
      %get3A_109 = arith.index_cast %get3A_108 : i32 to index
      %get3A_110 = arith.index_cast %mul3A_85 : i32 to index
      %get3A_111 = tpu.vector_load %arg6[%get3A_109, %get3A_110] {strides = array<i32>} : memref<32x320xi32, #tpu.memory_space<vmem>>, vector<16xi32>,
      %ge3A_112 = arith.constant 0 : i32
      %ge3A_113 = vector.broadcast %ge3A_112 : i32 to vector<16xi32>
      %ge3A_114 = arith.cmpi sge, %get3A_111, %ge3A_113 : vector<16xi32>
      %select_n3A_115 = arith.select %ge3A_114, %get3A_111, %select_n3A_107 : vector<16xi1>, vector<16xi32>
      %get3A_116 = arith.constant 4 : i32
      %get3A_117 = arith.index_cast %get3A_116 : i32 to index
      %get3A_118 = arith.index_cast %mul3A_85 : i32 to index
      %get3A_119 = tpu.vector_load %arg6[%get3A_117, %get3A_118] {strides = array<i32>} : memref<32x320xi32, #tpu.memory_space<vmem>>, vector<16xi32>,
      %ge3A_120 = arith.constant 0 : i32
      %ge3A_121 = vector.broadcast %ge3A_120 : i32 to vector<16xi32>
      %ge3A_122 = arith.cmpi sge, %get3A_119, %ge3A_121 : vector<16xi32>
      %select_n3A_123 = arith.select %ge3A_122, %get3A_119, %select_n3A_115 : vector<16xi1>, vector<16xi32>
      %get3A_124 = arith.constant 5 : i32
      %get3A_125 = arith.index_cast %get3A_124 : i32 to index
      %get3A_126 = arith.index_cast %mul3A_85 : i32 to index
      %get3A_127 = tpu.vector_load %arg6[%get3A_125, %get3A_126] {strides = array<i32>} : memref<32x320xi32, #tpu.memory_space<vmem>>, vector<16xi32>,
      %ge3A_128 = arith.constant 0 : i32
      %ge3A_129 = vector.broadcast %ge3A_128 : i32 to vector<16xi32>
      %ge3A_130 = arith.cmpi sge, %get3A_127, %ge3A_129 : vector<16xi32>
      %select_n3A_131 = arith.select %ge3A_130, %get3A_127, %select_n3A_123 : vector<16xi1>, vector<16xi32>
      %get3A_132 = arith.constant 6 : i32
      %get3A_133 = arith.index_cast %get3A_132 : i32 to index
      %get3A_134 = arith.index_cast %mul3A_85 : i32 to index
      %get3A_135 = tpu.vector_load %arg6[%get3A_133, %get3A_134] {strides = array<i32>} : memref<32x320xi32, #tpu.memory_space<vmem>>, vector<16xi32>,
      %ge3A_136 = arith.constant 0 : i32
      %ge3A_137 = vector.broadcast %ge3A_136 : i32 to vector<16xi32>
      %ge3A_138 = arith.cmpi sge, %get3A_135, %ge3A_137 : vector<16xi32>
      %select_n3A_139 = arith.select %ge3A_138, %get3A_135, %select_n3A_131 : vector<16xi1>, vector<16xi32>
      %get3A_140 = arith.constant 7 : i32
      %get3A_141 = arith.index_cast %get3A_140 : i32 to index
      %get3A_142 = arith.index_cast %mul3A_85 : i32 to index
      %get3A_143 = tpu.vector_load %arg6[%get3A_141, %get3A_142] {strides = array<i32>} : memref<32x320xi32, #tpu.memory_space<vmem>>, vector<16xi32>,
      %ge3A_144 = arith.constant 0 : i32
      %ge3A_145 = vector.broadcast %ge3A_144 : i32 to vector<16xi32>
      %ge3A_146 = arith.cmpi sge, %get3A_143, %ge3A_145 : vector<16xi32>
      %select_n3A_147 = arith.select %ge3A_146, %get3A_143, %select_n3A_139 : vector<16xi1>, vector<16xi32>
      %get3A_148 = arith.constant 8 : i32
      %get3A_149 = arith.index_cast %get3A_148 : i32 to index
      %get3A_150 = arith.index_cast %mul3A_85 : i32 to index
      %get3A_151 = tpu.vector_load %arg6[%get3A_149, %get3A_150] {strides = array<i32>} : memref<32x320xi32, #tpu.memory_space<vmem>>, vector<16xi32>,
      %ge3A_152 = arith.constant 0 : i32
      %ge3A_153 = vector.broadcast %ge3A_152 : i32 to vector<16xi32>
      %ge3A_154 = arith.cmpi sge, %get3A_151, %ge3A_153 : vector<16xi32>
      %select_n3A_155 = arith.select %ge3A_154, %get3A_151, %select_n3A_147 : vector<16xi1>, vector<16xi32>
      %get3A_156 = arith.constant 9 : i32
      %get3A_157 = arith.index_cast %get3A_156 : i32 to index
      %get3A_158 = arith.index_cast %mul3A_85 : i32 to index
      %get3A_159 = tpu.vector_load %arg6[%get3A_157, %get3A_158] {strides = array<i32>} : memref<32x320xi32, #tpu.memory_space<vmem>>, vector<16xi32>,
      %ge3A_160 = arith.constant 0 : i32
      %ge3A_161 = vector.broadcast %ge3A_160 : i32 to vector<16xi32>
      %ge3A_162 = arith.cmpi sge, %get3A_159, %ge3A_161 : vector<16xi32>
      %select_n3A_163 = arith.select %ge3A_162, %get3A_159, %select_n3A_155 : vector<16xi1>, vector<16xi32>
      %get3A_164 = arith.constant 10 : i32
      %get3A_165 = arith.index_cast %get3A_164 : i32 to index
      %get3A_166 = arith.index_cast %mul3A_85 : i32 to index
      %get3A_167 = tpu.vector_load %arg6[%get3A_165, %get3A_166] {strides = array<i32>} : memref<32x320xi32, #tpu.memory_space<vmem>>, vector<16xi32>,
      %ge3A_168 = arith.constant 0 : i32
      %ge3A_169 = vector.broadcast %ge3A_168 : i32 to vector<16xi32>
      %ge3A_170 = arith.cmpi sge, %get3A_167, %ge3A_169 : vector<16xi32>
      %select_n3A_171 = arith.select %ge3A_170, %get3A_167, %select_n3A_163 : vector<16xi1>, vector<16xi32>
      %get3A_172 = arith.constant 11 : i32
      %get3A_173 = arith.index_cast %get3A_172 : i32 to index
      %get3A_174 = arith.index_cast %mul3A_85 : i32 to index
      %get3A_175 = tpu.vector_load %arg6[%get3A_173, %get3A_174] {strides = array<i32>} : memref<32x320xi32, #tpu.memory_space<vmem>>, vector<16xi32>,
      %ge3A_176 = arith.constant 0 : i32
      %ge3A_177 = vector.broadcast %ge3A_176 : i32 to vector<16xi32>
      %ge3A_178 = arith.cmpi sge, %get3A_175, %ge3A_177 : vector<16xi32>
      %select_n3A_179 = arith.select %ge3A_178, %get3A_175, %select_n3A_171 : vector<16xi1>, vector<16xi32>
      %get3A_180 = arith.constant 12 : i32
      %get3A_181 = arith.index_cast %get3A_180 : i32 to index
      %get3A_182 = arith.index_cast %mul3A_85 : i32 to index
      %get3A_183 = tpu.vector_load %arg6[%get3A_181, %get3A_182] {strides = array<i32>} : memref<32x320xi32, #tpu.memory_space<vmem>>, vector<16xi32>,
      %ge3A_184 = arith.constant 0 : i32
      %ge3A_185 = vector.broadcast %ge3A_184 : i32 to vector<16xi32>
      %ge3A_186 = arith.cmpi sge, %get3A_183, %ge3A_185 : vector<16xi32>
      %select_n3A_187 = arith.select %ge3A_186, %get3A_183, %select_n3A_179 : vector<16xi1>, vector<16xi32>
      %get3A_188 = arith.constant 13 : i32
      %get3A_189 = arith.index_cast %get3A_188 : i32 to index
      %get3A_190 = arith.index_cast %mul3A_85 : i32 to index
      %get3A_191 = tpu.vector_load %arg6[%get3A_189, %get3A_190] {strides = array<i32>} : memref<32x320xi32, #tpu.memory_space<vmem>>, vector<16xi32>,
      %ge3A_192 = arith.constant 0 : i32
      %ge3A_193 = vector.broadcast %ge3A_192 : i32 to vector<16xi32>
      %ge3A_194 = arith.cmpi sge, %get3A_191, %ge3A_193 : vector<16xi32>
      %select_n3A_195 = arith.select %ge3A_194, %get3A_191, %select_n3A_187 : vector<16xi1>, vector<16xi32>
      %get3A_196 = arith.constant 14 : i32
      %get3A_197 = arith.index_cast %get3A_196 : i32 to index
      %get3A_198 = arith.index_cast %mul3A_85 : i32 to index
      %get3A_199 = tpu.vector_load %arg6[%get3A_197, %get3A_198] {strides = array<i32>} : memref<32x320xi32, #tpu.memory_space<vmem>>, vector<16xi32>,
      %ge3A_200 = arith.constant 0 : i32
      %ge3A_201 = vector.broadcast %ge3A_200 : i32 to vector<16xi32>
      %ge3A_202 = arith.cmpi sge, %get3A_199, %ge3A_201 : vector<16xi32>
      %select_n3A_203 = arith.select %ge3A_202, %get3A_199, %select_n3A_195 : vector<16xi1>, vector<16xi32>
      %get3A_204 = arith.constant 15 : i32
      %get3A_205 = arith.index_cast %get3A_204 : i32 to index
      %get3A_206 = arith.index_cast %mul3A_85 : i32 to index
      %get3A_207 = tpu.vector_load %arg6[%get3A_205, %get3A_206] {strides = array<i32>} : memref<32x320xi32, #tpu.memory_space<vmem>>, vector<16xi32>,
      %ge3A_208 = arith.constant 0 : i32
      %ge3A_209 = vector.broadcast %ge3A_208 : i32 to vector<16xi32>
      %ge3A_210 = arith.cmpi sge, %get3A_207, %ge3A_209 : vector<16xi32>
      %select_n3A_211 = arith.select %ge3A_210, %get3A_207, %select_n3A_203 : vector<16xi1>, vector<16xi32>
      %get3A_212 = arith.constant 16 : i32
      %get3A_213 = arith.index_cast %get3A_212 : i32 to index
      %get3A_214 = arith.index_cast %mul3A_85 : i32 to index
      %get3A_215 = tpu.vector_load %arg6[%get3A_213, %get3A_214] {strides = array<i32>} : memref<32x320xi32, #tpu.memory_space<vmem>>, vector<16xi32>,
      %ge3A_216 = arith.constant 0 : i32
      %ge3A_217 = vector.broadcast %ge3A_216 : i32 to vector<16xi32>
      %ge3A_218 = arith.cmpi sge, %get3A_215, %ge3A_217 : vector<16xi32>
      %select_n3A_219 = arith.select %ge3A_218, %get3A_215, %select_n3A_211 : vector<16xi1>, vector<16xi32>
      %get3A_220 = arith.constant 17 : i32
      %get3A_221 = arith.index_cast %get3A_220 : i32 to index
      %get3A_222 = arith.index_cast %mul3A_85 : i32 to index
      %get3A_223 = tpu.vector_load %arg6[%get3A_221, %get3A_222] {strides = array<i32>} : memref<32x320xi32, #tpu.memory_space<vmem>>, vector<16xi32>,
      %ge3A_224 = arith.constant 0 : i32
      %ge3A_225 = vector.broadcast %ge3A_224 : i32 to vector<16xi32>
      %ge3A_226 = arith.cmpi sge, %get3A_223, %ge3A_225 : vector<16xi32>
      %select_n3A_227 = arith.select %ge3A_226, %get3A_223, %select_n3A_219 : vector<16xi1>, vector<16xi32>
      %get3A_228 = arith.constant 18 : i32
      %get3A_229 = arith.index_cast %get3A_228 : i32 to index
      %get3A_230 = arith.index_cast %mul3A_85 : i32 to index
      %get3A_231 = tpu.vector_load %arg6[%get3A_229, %get3A_230] {strides = array<i32>} : memref<32x320xi32, #tpu.memory_space<vmem>>, vector<16xi32>,
      %ge3A_232 = arith.constant 0 : i32
      %ge3A_233 = vector.broadcast %ge3A_232 : i32 to vector<16xi32>
      %ge3A_234 = arith.cmpi sge, %get3A_231, %ge3A_233 : vector<16xi32>
      %select_n3A_235 = arith.select %ge3A_234, %get3A_231, %select_n3A_227 : vector<16xi1>, vector<16xi32>
      %get3A_236 = arith.constant 19 : i32
      %get3A_237 = arith.index_cast %get3A_236 : i32 to index
      %get3A_238 = arith.index_cast %mul3A_85 : i32 to index
      %get3A_239 = tpu.vector_load %arg6[%get3A_237, %get3A_238] {strides = array<i32>} : memref<32x320xi32, #tpu.memory_space<vmem>>, vector<16xi32>,
      %ge3A_240 = arith.constant 0 : i32
      %ge3A_241 = vector.broadcast %ge3A_240 : i32 to vector<16xi32>
      %ge3A_242 = arith.cmpi sge, %get3A_239, %ge3A_241 : vector<16xi32>
      %select_n3A_243 = arith.select %ge3A_242, %get3A_239, %select_n3A_235 : vector<16xi1>, vector<16xi32>
      %get3A_244 = arith.constant 20 : i32
      %get3A_245 = arith.index_cast %get3A_244 : i32 to index
      %get3A_246 = arith.index_cast %mul3A_85 : i32 to index
      %get3A_247 = tpu.vector_load %arg6[%get3A_245, %get3A_246] {strides = array<i32>} : memref<32x320xi32, #tpu.memory_space<vmem>>, vector<16xi32>,
      %ge3A_248 = arith.constant 0 : i32
      %ge3A_249 = vector.broadcast %ge3A_248 : i32 to vector<16xi32>
      %ge3A_250 = arith.cmpi sge, %get3A_247, %ge3A_249 : vector<16xi32>
      %select_n3A_251 = arith.select %ge3A_250, %get3A_247, %select_n3A_243 : vector<16xi1>, vector<16xi32>
      %get3A_252 = arith.constant 21 : i32
      %get3A_253 = arith.index_cast %get3A_252 : i32 to index
      %get3A_254 = arith.index_cast %mul3A_85 : i32 to index
      %get3A_255 = tpu.vector_load %arg6[%get3A_253, %get3A_254] {strides = array<i32>} : memref<32x320xi32, #tpu.memory_space<vmem>>, vector<16xi32>,
      %ge3A_256 = arith.constant 0 : i32
      %ge3A_257 = vector.broadcast %ge3A_256 : i32 to vector<16xi32>
      %ge3A_258 = arith.cmpi sge, %get3A_255, %ge3A_257 : vector<16xi32>
      %select_n3A_259 = arith.select %ge3A_258, %get3A_255, %select_n3A_251 : vector<16xi1>, vector<16xi32>
      %get3A_260 = arith.constant 22 : i32
      %get3A_261 = arith.index_cast %get3A_260 : i32 to index
      %get3A_262 = arith.index_cast %mul3A_85 : i32 to index
      %get3A_263 = tpu.vector_load %arg6[%get3A_261, %get3A_262] {strides = array<i32>} : memref<32x320xi32, #tpu.memory_space<vmem>>, vector<16xi32>,
      %ge3A_264 = arith.constant 0 : i32
      %ge3A_265 = vector.broadcast %ge3A_264 : i32 to vector<16xi32>
      %ge3A_266 = arith.cmpi sge, %get3A_263, %ge3A_265 : vector<16xi32>
      %select_n3A_267 = arith.select %ge3A_266, %get3A_263, %select_n3A_259 : vector<16xi1>, vector<16xi32>
      %get3A_268 = arith.constant 23 : i32
      %get3A_269 = arith.index_cast %get3A_268 : i32 to index
      %get3A_270 = arith.index_cast %mul3A_85 : i32 to index
      %get3A_271 = tpu.vector_load %arg6[%get3A_269, %get3A_270] {strides = array<i32>} : memref<32x320xi32, #tpu.memory_space<vmem>>, vector<16xi32>,
      %ge3A_272 = arith.constant 0 : i32
      %ge3A_273 = vector.broadcast %ge3A_272 : i32 to vector<16xi32>
      %ge3A_274 = arith.cmpi sge, %get3A_271, %ge3A_273 : vector<16xi32>
      %select_n3A_275 = arith.select %ge3A_274, %get3A_271, %select_n3A_267 : vector<16xi1>, vector<16xi32>
      %get3A_276 = arith.constant 24 : i32
      %get3A_277 = arith.index_cast %get3A_276 : i32 to index
      %get3A_278 = arith.index_cast %mul3A_85 : i32 to index
      %get3A_279 = tpu.vector_load %arg6[%get3A_277, %get3A_278] {strides = array<i32>} : memref<32x320xi32, #tpu.memory_space<vmem>>, vector<16xi32>,
      %ge3A_280 = arith.constant 0 : i32
      %ge3A_281 = vector.broadcast %ge3A_280 : i32 to vector<16xi32>
      %ge3A_282 = arith.cmpi sge, %get3A_279, %ge3A_281 : vector<16xi32>
      %select_n3A_283 = arith.select %ge3A_282, %get3A_279, %select_n3A_275 : vector<16xi1>, vector<16xi32>
      %get3A_284 = arith.constant 25 : i32
      %get3A_285 = arith.index_cast %get3A_284 : i32 to index
      %get3A_286 = arith.index_cast %mul3A_85 : i32 to index
      %get3A_287 = tpu.vector_load %arg6[%get3A_285, %get3A_286] {strides = array<i32>} : memref<32x320xi32, #tpu.memory_space<vmem>>, vector<16xi32>,
      %ge3A_288 = arith.constant 0 : i32
      %ge3A_289 = vector.broadcast %ge3A_288 : i32 to vector<16xi32>
      %ge3A_290 = arith.cmpi sge, %get3A_287, %ge3A_289 : vector<16xi32>
      %select_n3A_291 = arith.select %ge3A_290, %get3A_287, %select_n3A_283 : vector<16xi1>, vector<16xi32>
      %get3A_292 = arith.constant 26 : i32
      %get3A_293 = arith.index_cast %get3A_292 : i32 to index
      %get3A_294 = arith.index_cast %mul3A_85 : i32 to index
      %get3A_295 = tpu.vector_load %arg6[%get3A_293, %get3A_294] {strides = array<i32>} : memref<32x320xi32, #tpu.memory_space<vmem>>, vector<16xi32>,
      %ge3A_296 = arith.constant 0 : i32
      %ge3A_297 = vector.broadcast %ge3A_296 : i32 to vector<16xi32>
      %ge3A_298 = arith.cmpi sge, %get3A_295, %ge3A_297 : vector<16xi32>
      %select_n3A_299 = arith.select %ge3A_298, %get3A_295, %select_n3A_291 : vector<16xi1>, vector<16xi32>
      %get3A_300 = arith.constant 27 : i32
      %get3A_301 = arith.index_cast %get3A_300 : i32 to index
      %get3A_302 = arith.index_cast %mul3A_85 : i32 to index
      %get3A_303 = tpu.vector_load %arg6[%get3A_301, %get3A_302] {strides = array<i32>} : memref<32x320xi32, #tpu.memory_space<vmem>>, vector<16xi32>,
      %ge3A_304 = arith.constant 0 : i32
      %ge3A_305 = vector.broadcast %ge3A_304 : i32 to vector<16xi32>
      %ge3A_306 = arith.cmpi sge, %get3A_303, %ge3A_305 : vector<16xi32>
      %select_n3A_307 = arith.select %ge3A_306, %get3A_303, %select_n3A_299 : vector<16xi1>, vector<16xi32>
      %get3A_308 = arith.constant 28 : i32
      %get3A_309 = arith.index_cast %get3A_308 : i32 to index
      %get3A_310 = arith.index_cast %mul3A_85 : i32 to index
      %get3A_311 = tpu.vector_load %arg6[%get3A_309, %get3A_310] {strides = array<i32>} : memref<32x320xi32, #tpu.memory_space<vmem>>, vector<16xi32>,
      %ge3A_312 = arith.constant 0 : i32
      %ge3A_313 = vector.broadcast %ge3A_312 : i32 to vector<16xi32>
      %ge3A_314 = arith.cmpi sge, %get3A_311, %ge3A_313 : vector<16xi32>
      %select_n3A_315 = arith.select %ge3A_314, %get3A_311, %select_n3A_307 : vector<16xi1>, vector<16xi32>
      %get3A_316 = arith.constant 29 : i32
      %get3A_317 = arith.index_cast %get3A_316 : i32 to index
      %get3A_318 = arith.index_cast %mul3A_85 : i32 to index
      %get3A_319 = tpu.vector_load %arg6[%get3A_317, %get3A_318] {strides = array<i32>} : memref<32x320xi32, #tpu.memory_space<vmem>>, vector<16xi32>,
      %ge3A_320 = arith.constant 0 : i32
      %ge3A_321 = vector.broadcast %ge3A_320 : i32 to vector<16xi32>
      %ge3A_322 = arith.cmpi sge, %get3A_319, %ge3A_321 : vector<16xi32>
      %select_n3A_323 = arith.select %ge3A_322, %get3A_319, %select_n3A_315 : vector<16xi1>, vector<16xi32>
      %get3A_324 = arith.constant 30 : i32
      %get3A_325 = arith.index_cast %get3A_324 : i32 to index
      %get3A_326 = arith.index_cast %mul3A_85 : i32 to index
      %get3A_327 = tpu.vector_load %arg6[%get3A_325, %get3A_326] {strides = array<i32>} : memref<32x320xi32, #tpu.memory_space<vmem>>, vector<16xi32>,
      %ge3A_328 = arith.constant 0 : i32
      %ge3A_329 = vector.broadcast %ge3A_328 : i32 to vector<16xi32>
      %ge3A_330 = arith.cmpi sge, %get3A_327, %ge3A_329 : vector<16xi32>
      %select_n3A_331 = arith.select %ge3A_330, %get3A_327, %select_n3A_323 : vector<16xi1>, vector<16xi32>
      %get3A_332 = arith.constant 31 : i32
      %get3A_333 = arith.index_cast %get3A_332 : i32 to index
      %get3A_334 = arith.index_cast %mul3A_85 : i32 to index
      %get3A_335 = tpu.vector_load %arg6[%get3A_333, %get3A_334] {strides = array<i32>} : memref<32x320xi32, #tpu.memory_space<vmem>>, vector<16xi32>,
      %ge3A_336 = arith.constant 0 : i32
      %ge3A_337 = vector.broadcast %ge3A_336 : i32 to vector<16xi32>
      %ge3A_338 = arith.cmpi sge, %get3A_335, %ge3A_337 : vector<16xi32>
      %select_n3A_339 = arith.select %ge3A_338, %get3A_335, %select_n3A_331 : vector<16xi1>, vector<16xi32>
      %swap3A = arith.index_cast %mul3A_85 : i32 to index
      %swap3A_340 = tpu.vector_load %arg7[%swap3A] {strides = array<i32>} : memref<320xi32, #tpu.memory_space<vmem>>, vector<16xi32>,
      tpu.vector_store %arg7[%swap3A], %select_n3A_339 {strides = array<i32>} : memref<320xi32, #tpu.memory_space<vmem>>, vector<16xi32>,
      %ge3A_341 = arith.constant 0 : i32
      %ge3A_342 = vector.broadcast %ge3A_341 : i32 to vector<16xi32>
      %ge3A_343 = arith.cmpi sge, %select_n3A_339, %ge3A_342 : vector<16xi32>
      %and3A = arith.constant 16383 : i32
      %and3A_344 = vector.broadcast %and3A : i32 to vector<16xi32>
      %and3A_345 = arith.andi %select_n3A_339, %and3A_344 : vector<16xi32>
      %jit3A = arith.constant 0 : i32
      %broadcast_in_dim3A_346 = vector.broadcast %jit3A : i32 to vector<16xi32>
      %select_n3A_347 = arith.select %ge3A_343, %and3A_345, %broadcast_in_dim3A_346 : vector<16xi1>, vector<16xi32>
      %swap3A_348 = arith.index_cast %mul3A_85 : i32 to index
      %swap3A_349 = tpu.vector_load %arg8[%swap3A_348] {strides = array<i32>} : memref<320xi32, #tpu.memory_space<vmem>>, vector<16xi32>,
      tpu.vector_store %arg8[%swap3A_348], %select_n3A_347 {strides = array<i32>} : memref<320xi32, #tpu.memory_space<vmem>>, vector<16xi32>,
      %scan3A_350 = arith.constant 0 : i32
      scf.yield %scan3A_350 : i32
    }
    %scan3A_10 = arith.constant 20 : i32
    %eq3A_11 = arith.constant 0 : i32
    %eq3A_12 = arith.cmpi eq, %arg1, %eq3A_11 : i32
    %convert_element_type3A_13 = arith.extui %eq3A_12 : i1 to i32
    %cond3A_14 = arith.constant 0 : i32
    %cond3A_15 = arith.cmpi ne, %convert_element_type3A_13, %cond3A_14 : i32
    scf.if %cond3A_15 {
      tpu.wait_dma2 semaphore(%arg12 : memref<!tpu.dma_semaphore, #tpu.memory_space<semaphore_mem>>) src(%arg3 : memref<10000x128xf32, #tpu.memory_space<hbm>>) dst(%arg11 : memref<10000x128xf32, #tpu.memory_space<vmem_shared>>)
    } else {
    }
    %barrier3A = arith.constant 0 : index
    tpu.barrier barrier_id(%barrier3A)
    "tpu.region"() ({
      %run_scoped3A = tpu.sem_alloc : memref<!tpu.dma_semaphore, #tpu.memory_space<semaphore_mem>>
      %dma_start3A_82 = tpu.memref_slice %arg4[%mul3A_2] : memref<10240xi32, #tpu.memory_space<hbm>> -> memref<320xi32, #tpu.memory_space<hbm>>
      %dma_start3A_83 = tpu.memref_slice %arg4[%mul3A_2] : memref<10240xi32, #tpu.memory_space<hbm>> -> memref<320xi32, #tpu.memory_space<hbm>>
      tpu.enqueue_dma source(%arg7 : memref<320xi32, #tpu.memory_space<vmem>>) target(%dma_start3A_83 : memref<320xi32, #tpu.memory_space<hbm>>) target_semaphore(%run_scoped3A : memref<!tpu.dma_semaphore, #tpu.memory_space<semaphore_mem>>)
      %dma_wait3A_84 = tpu.memref_slice %arg4[%mul3A_2] : memref<10240xi32, #tpu.memory_space<hbm>> -> memref<320xi32, #tpu.memory_space<hbm>>
      %dma_wait3A_85 = tpu.memref_slice %arg4[%mul3A_2] : memref<10240xi32, #tpu.memory_space<hbm>> -> memref<320xi32, #tpu.memory_space<hbm>>
      tpu.wait_dma2 semaphore(%run_scoped3A : memref<!tpu.dma_semaphore, #tpu.memory_space<semaphore_mem>>) src(%arg7 : memref<320xi32, #tpu.memory_space<vmem>>) dst(%dma_wait3A_85 : memref<320xi32, #tpu.memory_space<hbm>>)
      tpu.yield
    }) : () -> ()
    %dma_start3A = arith.constant 0 : i32
    %dma_start3A_16 = arith.constant 0 : i32
    %dma_start3A_17 = tpu.memref_slice %arg9[%dma_start3A, %dma_start3A_16] : memref<160x128xf32, #tpu.memory_space<vmem>> -> memref<80x128xf32, #tpu.memory_space<vmem>>
    %dma_start3A_18 = arith.constant 0 : i32
    %dma_start3A_19 = tpu.memref_slice %arg8[%dma_start3A_18] : memref<320xi32, #tpu.memory_space<vmem>> -> memref<80xi32, #tpu.memory_space<vmem>>
    %dma_start3A_20 = arith.constant 0 : i32
    %dma_start3A_21 = arith.constant 0 : i32
    %dma_start3A_22 = tpu.memref_slice %arg11[%dma_start3A_20, %dma_start3A_21] : memref<10000x128xf32, #tpu.memory_space<vmem_shared>> -> memref<10000x128xf32, #tpu.memory_space<vmem_shared>>
    tpu.enqueue_indirect_dma source(%dma_start3A_22 : memref<10000x128xf32, #tpu.memory_space<vmem_shared>>) target(%dma_start3A_17 : memref<80x128xf32, #tpu.memory_space<vmem>>) offsets(%dma_start3A_19 : memref<80xi32, #tpu.memory_space<vmem>>) semaphore(%arg10 : memref<!tpu.dma_semaphore, #tpu.memory_space<semaphore_mem>>)
    %dma_start3A_23 = arith.constant 80 : i32
    %dma_start3A_24 = arith.constant 0 : i32
    %dma_start3A_25 = tpu.memref_slice %arg9[%dma_start3A_23, %dma_start3A_24] : memref<160x128xf32, #tpu.memory_space<vmem>> -> memref<80x128xf32, #tpu.memory_space<vmem>>
    %dma_start3A_26 = arith.constant 80 : i32
    %dma_start3A_27 = tpu.memref_slice %arg8[%dma_start3A_26] : memref<320xi32, #tpu.memory_space<vmem>> -> memref<80xi32, #tpu.memory_space<vmem>>
    %dma_start3A_28 = arith.constant 0 : i32
    %dma_start3A_29 = arith.constant 0 : i32
    %dma_start3A_30 = tpu.memref_slice %arg11[%dma_start3A_28, %dma_start3A_29] : memref<10000x128xf32, #tpu.memory_space<vmem_shared>> -> memref<10000x128xf32, #tpu.memory_space<vmem_shared>>
    tpu.enqueue_indirect_dma source(%dma_start3A_30 : memref<10000x128xf32, #tpu.memory_space<vmem_shared>>) target(%dma_start3A_25 : memref<80x128xf32, #tpu.memory_space<vmem>>) offsets(%dma_start3A_27 : memref<80xi32, #tpu.memory_space<vmem>>) semaphore(%arg10 : memref<!tpu.dma_semaphore, #tpu.memory_space<semaphore_mem>>)
    %dma_wait3A = arith.constant 0 : i32
    %dma_wait3A_31 = arith.constant 0 : i32
    %dma_wait3A_32 = tpu.memref_slice %arg9[%dma_wait3A, %dma_wait3A_31] : memref<160x128xf32, #tpu.memory_space<vmem>> -> memref<80x128xf32, #tpu.memory_space<vmem>>
    %dma_wait3A_33 = arith.constant 0 : i32
    %dma_wait3A_34 = tpu.memref_slice %arg8[%dma_wait3A_33] : memref<320xi32, #tpu.memory_space<vmem>> -> memref<80xi32, #tpu.memory_space<vmem>>
    %dma_wait3A_35 = arith.constant 0 : i32
    %dma_wait3A_36 = arith.constant 0 : i32
    %dma_wait3A_37 = tpu.memref_slice %arg11[%dma_wait3A_35, %dma_wait3A_36] : memref<10000x128xf32, #tpu.memory_space<vmem_shared>> -> memref<10000x128xf32, #tpu.memory_space<vmem_shared>>
    tpu.wait_indirect_dma semaphore(%arg10 : memref<!tpu.dma_semaphore, #tpu.memory_space<semaphore_mem>>) src(%dma_wait3A_37 : memref<10000x128xf32, #tpu.memory_space<vmem_shared>>) dst(%dma_wait3A_32 : memref<80x128xf32, #tpu.memory_space<vmem>>)
    %dma_wait3A_38 = arith.constant 80 : i32
    %dma_wait3A_39 = arith.constant 0 : i32
    %dma_wait3A_40 = tpu.memref_slice %arg9[%dma_wait3A_38, %dma_wait3A_39] : memref<160x128xf32, #tpu.memory_space<vmem>> -> memref<80x128xf32, #tpu.memory_space<vmem>>
    %dma_wait3A_41 = arith.constant 80 : i32
    %dma_wait3A_42 = tpu.memref_slice %arg8[%dma_wait3A_41] : memref<320xi32, #tpu.memory_space<vmem>> -> memref<80xi32, #tpu.memory_space<vmem>>
    %dma_wait3A_43 = arith.constant 0 : i32
    %dma_wait3A_44 = arith.constant 0 : i32
    %dma_wait3A_45 = tpu.memref_slice %arg11[%dma_wait3A_43, %dma_wait3A_44] : memref<10000x128xf32, #tpu.memory_space<vmem_shared>> -> memref<10000x128xf32, #tpu.memory_space<vmem_shared>>
    tpu.wait_indirect_dma semaphore(%arg10 : memref<!tpu.dma_semaphore, #tpu.memory_space<semaphore_mem>>) src(%dma_wait3A_45 : memref<10000x128xf32, #tpu.memory_space<vmem_shared>>) dst(%dma_wait3A_40 : memref<80x128xf32, #tpu.memory_space<vmem>>)
    %add3A_46 = arith.constant 0 : i32
    %add3A_47 = arith.addi %mul3A_2, %add3A_46 : i32
    "tpu.region"() ({
      %run_scoped3A = tpu.sem_alloc : memref<!tpu.dma_semaphore, #tpu.memory_space<semaphore_mem>>
      %dma_start3A_82 = arith.constant 0 : i32
      %dma_start3A_83 = tpu.memref_slice %arg5[%add3A_47, %dma_start3A_82] : memref<10240x128xf32, #tpu.memory_space<hbm>> -> memref<160x128xf32, #tpu.memory_space<hbm>>
      %dma_start3A_84 = arith.constant 0 : i32
      %dma_start3A_85 = tpu.memref_slice %arg5[%add3A_47, %dma_start3A_84] : memref<10240x128xf32, #tpu.memory_space<hbm>> -> memref<160x128xf32, #tpu.memory_space<hbm>>
      tpu.enqueue_dma source(%arg9 : memref<160x128xf32, #tpu.memory_space<vmem>>) target(%dma_start3A_85 : memref<160x128xf32, #tpu.memory_space<hbm>>) target_semaphore(%run_scoped3A : memref<!tpu.dma_semaphore, #tpu.memory_space<semaphore_mem>>)
      %dma_wait3A_86 = arith.constant 0 : i32
      %dma_wait3A_87 = tpu.memref_slice %arg5[%add3A_47, %dma_wait3A_86] : memref<10240x128xf32, #tpu.memory_space<hbm>> -> memref<160x128xf32, #tpu.memory_space<hbm>>
      %dma_wait3A_88 = arith.constant 0 : i32
      %dma_wait3A_89 = tpu.memref_slice %arg5[%add3A_47, %dma_wait3A_88] : memref<10240x128xf32, #tpu.memory_space<hbm>> -> memref<160x128xf32, #tpu.memory_space<hbm>>
      tpu.wait_dma2 semaphore(%run_scoped3A : memref<!tpu.dma_semaphore, #tpu.memory_space<semaphore_mem>>) src(%arg9 : memref<160x128xf32, #tpu.memory_space<vmem>>) dst(%dma_wait3A_89 : memref<160x128xf32, #tpu.memory_space<hbm>>)
      tpu.yield
    }) : () -> ()
    %dma_start3A_48 = arith.constant 0 : i32
    %dma_start3A_49 = arith.constant 0 : i32
    %dma_start3A_50 = tpu.memref_slice %arg9[%dma_start3A_48, %dma_start3A_49] : memref<160x128xf32, #tpu.memory_space<vmem>> -> memref<80x128xf32, #tpu.memory_space<vmem>>
    %dma_start3A_51 = arith.constant 160 : i32
    %dma_start3A_52 = tpu.memref_slice %arg8[%dma_start3A_51] : memref<320xi32, #tpu.memory_space<vmem>> -> memref<80xi32, #tpu.memory_space<vmem>>
    %dma_start3A_53 = arith.constant 0 : i32
    %dma_start3A_54 = arith.constant 0 : i32
    %dma_start3A_55 = tpu.memref_slice %arg11[%dma_start3A_53, %dma_start3A_54] : memref<10000x128xf32, #tpu.memory_space<vmem_shared>> -> memref<10000x128xf32, #tpu.memory_space<vmem_shared>>
    tpu.enqueue_indirect_dma source(%dma_start3A_55 : memref<10000x128xf32, #tpu.memory_space<vmem_shared>>) target(%dma_start3A_50 : memref<80x128xf32, #tpu.memory_space<vmem>>) offsets(%dma_start3A_52 : memref<80xi32, #tpu.memory_space<vmem>>) semaphore(%arg10 : memref<!tpu.dma_semaphore, #tpu.memory_space<semaphore_mem>>)
    %dma_start3A_56 = arith.constant 80 : i32
    %dma_start3A_57 = arith.constant 0 : i32
    %dma_start3A_58 = tpu.memref_slice %arg9[%dma_start3A_56, %dma_start3A_57] : memref<160x128xf32, #tpu.memory_space<vmem>> -> memref<80x128xf32, #tpu.memory_space<vmem>>
    %dma_start3A_59 = arith.constant 240 : i32
    %dma_start3A_60 = tpu.memref_slice %arg8[%dma_start3A_59] : memref<320xi32, #tpu.memory_space<vmem>> -> memref<80xi32, #tpu.memory_space<vmem>>
    %dma_start3A_61 = arith.constant 0 : i32
    %dma_start3A_62 = arith.constant 0 : i32
    %dma_start3A_63 = tpu.memref_slice %arg11[%dma_start3A_61, %dma_start3A_62] : memref<10000x128xf32, #tpu.memory_space<vmem_shared>> -> memref<10000x128xf32, #tpu.memory_space<vmem_shared>>
    tpu.enqueue_indirect_dma source(%dma_start3A_63 : memref<10000x128xf32, #tpu.memory_space<vmem_shared>>) target(%dma_start3A_58 : memref<80x128xf32, #tpu.memory_space<vmem>>) offsets(%dma_start3A_60 : memref<80xi32, #tpu.memory_space<vmem>>) semaphore(%arg10 : memref<!tpu.dma_semaphore, #tpu.memory_space<semaphore_mem>>)
    %dma_wait3A_64 = arith.constant 0 : i32
    %dma_wait3A_65 = arith.constant 0 : i32
    %dma_wait3A_66 = tpu.memref_slice %arg9[%dma_wait3A_64, %dma_wait3A_65] : memref<160x128xf32, #tpu.memory_space<vmem>> -> memref<80x128xf32, #tpu.memory_space<vmem>>
    %dma_wait3A_67 = arith.constant 160 : i32
    %dma_wait3A_68 = tpu.memref_slice %arg8[%dma_wait3A_67] : memref<320xi32, #tpu.memory_space<vmem>> -> memref<80xi32, #tpu.memory_space<vmem>>
    %dma_wait3A_69 = arith.constant 0 : i32
    %dma_wait3A_70 = arith.constant 0 : i32
    %dma_wait3A_71 = tpu.memref_slice %arg11[%dma_wait3A_69, %dma_wait3A_70] : memref<10000x128xf32, #tpu.memory_space<vmem_shared>> -> memref<10000x128xf32, #tpu.memory_space<vmem_shared>>
    tpu.wait_indirect_dma semaphore(%arg10 : memref<!tpu.dma_semaphore, #tpu.memory_space<semaphore_mem>>) src(%dma_wait3A_71 : memref<10000x128xf32, #tpu.memory_space<vmem_shared>>) dst(%dma_wait3A_66 : memref<80x128xf32, #tpu.memory_space<vmem>>)
    %dma_wait3A_72 = arith.constant 80 : i32
    %dma_wait3A_73 = arith.constant 0 : i32
    %dma_wait3A_74 = tpu.memref_slice %arg9[%dma_wait3A_72, %dma_wait3A_73] : memref<160x128xf32, #tpu.memory_space<vmem>> -> memref<80x128xf32, #tpu.memory_space<vmem>>
    %dma_wait3A_75 = arith.constant 240 : i32
    %dma_wait3A_76 = tpu.memref_slice %arg8[%dma_wait3A_75] : memref<320xi32, #tpu.memory_space<vmem>> -> memref<80xi32, #tpu.memory_space<vmem>>
    %dma_wait3A_77 = arith.constant 0 : i32
    %dma_wait3A_78 = arith.constant 0 : i32
    %dma_wait3A_79 = tpu.memref_slice %arg11[%dma_wait3A_77, %dma_wait3A_78] : memref<10000x128xf32, #tpu.memory_space<vmem_shared>> -> memref<10000x128xf32, #tpu.memory_space<vmem_shared>>
    tpu.wait_indirect_dma semaphore(%arg10 : memref<!tpu.dma_semaphore, #tpu.memory_space<semaphore_mem>>) src(%dma_wait3A_79 : memref<10000x128xf32, #tpu.memory_space<vmem_shared>>) dst(%dma_wait3A_74 : memref<80x128xf32, #tpu.memory_space<vmem>>)
    %add3A_80 = arith.constant 160 : i32
    %add3A_81 = arith.addi %mul3A_2, %add3A_80 : i32
    "tpu.region"() ({
      %run_scoped3A = tpu.sem_alloc : memref<!tpu.dma_semaphore, #tpu.memory_space<semaphore_mem>>
      %dma_start3A_82 = arith.constant 0 : i32
      %dma_start3A_83 = tpu.memref_slice %arg5[%add3A_81, %dma_start3A_82] : memref<10240x128xf32, #tpu.memory_space<hbm>> -> memref<160x128xf32, #tpu.memory_space<hbm>>
      %dma_start3A_84 = arith.constant 0 : i32
      %dma_start3A_85 = tpu.memref_slice %arg5[%add3A_81, %dma_start3A_84] : memref<10240x128xf32, #tpu.memory_space<hbm>> -> memref<160x128xf32, #tpu.memory_space<hbm>>
      tpu.enqueue_dma source(%arg9 : memref<160x128xf32, #tpu.memory_space<vmem>>) target(%dma_start3A_85 : memref<160x128xf32, #tpu.memory_space<hbm>>) target_semaphore(%run_scoped3A : memref<!tpu.dma_semaphore, #tpu.memory_space<semaphore_mem>>)
      %dma_wait3A_86 = arith.constant 0 : i32
      %dma_wait3A_87 = tpu.memref_slice %arg5[%add3A_81, %dma_wait3A_86] : memref<10240x128xf32, #tpu.memory_space<hbm>> -> memref<160x128xf32, #tpu.memory_space<hbm>>
      %dma_wait3A_88 = arith.constant 0 : i32
      %dma_wait3A_89 = tpu.memref_slice %arg5[%add3A_81, %dma_wait3A_88] : memref<10240x128xf32, #tpu.memory_space<hbm>> -> memref<160x128xf32, #tpu.memory_space<hbm>>
      tpu.wait_dma2 semaphore(%run_scoped3A : memref<!tpu.dma_semaphore, #tpu.memory_space<semaphore_mem>>) src(%arg9 : memref<160x128xf32, #tpu.memory_space<vmem>>) dst(%dma_wait3A_89 : memref<160x128xf32, #tpu.memory_space<hbm>>)
      tpu.yield
    }) : () -> ()
    return
  }
}

module attributes {stable_mosaic.version = 14 : i64} {
  func.func @_dense_body(%arg0: i32, %arg1: memref<400x128xf32, #tpu.memory_space<vmem>>, %arg2: memref<400x128xf32, #tpu.memory_space<vmem>>, %arg3: memref<400x1xi32, #tpu.memory_space<vmem>>, %arg4: memref<128x128xf32, #tpu.memory_space<vmem>>, %arg5: memref<1x128xf32, #tpu.memory_space<vmem>>, %arg6: memref<128x128xf32, #tpu.memory_space<vmem>>, %arg7: memref<1x128xf32, #tpu.memory_space<vmem>>, %arg8: memref<1x128xf32, #tpu.memory_space<vmem>>, %arg9: memref<1x128xf32, #tpu.memory_space<vmem>>, %arg10: memref<400x128xf32, #tpu.memory_space<vmem>>) attributes {dimension_semantics = [#tpu.dimension_semantics<arbitrary>], iteration_bounds = array<i64: 25>, scalar_prefetch = 0 : i64, scratch_operands = 0 : i64, tpu.core_type = #tpu.core_type<tc>, window_params = [{transform_indices = @transform_0, window_bounds = array<i64: 400, 128>}, {transform_indices = @transform_1, window_bounds = array<i64: 400, 128>}, {transform_indices = @transform_2, window_bounds = array<i64: 400, 1>}, {pipeline_mode = #tpu.pipeline_mode<synchronous>, transform_indices = @transform_3, window_bounds = array<i64: 128, 128>}, {pipeline_mode = #tpu.pipeline_mode<synchronous>, transform_indices = @transform_4, window_bounds = array<i64: 1, 128>}, {pipeline_mode = #tpu.pipeline_mode<synchronous>, transform_indices = @transform_5, window_bounds = array<i64: 128, 128>}, {pipeline_mode = #tpu.pipeline_mode<synchronous>, transform_indices = @transform_6, window_bounds = array<i64: 1, 128>}, {pipeline_mode = #tpu.pipeline_mode<synchronous>, transform_indices = @transform_7, window_bounds = array<i64: 1, 128>}, {pipeline_mode = #tpu.pipeline_mode<synchronous>, transform_indices = @transform_8, window_bounds = array<i64: 1, 128>}, {transform_indices = @transform_9, window_bounds = array<i64: 400, 128>}]} {
    %get3A = arith.constant 0 : index
    %get3A_0 = arith.constant 0 : index
    %get3A_1 = vector.load %arg1[%get3A, %get3A_0] : memref<400x128xf32, #tpu.memory_space<vmem>>, vector<400x128xf32>
    %get3A_2 = arith.constant 0 : index
    %get3A_3 = arith.constant 0 : index
    %get3A_4 = vector.load %arg2[%get3A_2, %get3A_3] : memref<400x128xf32, #tpu.memory_space<vmem>>, vector<400x128xf32>
    %add3A = arith.addf %get3A_1, %get3A_4 : vector<400x128xf32>
    %get3A_5 = arith.constant 0 : index
    %get3A_6 = arith.constant 0 : index
    %get3A_7 = vector.load %arg8[%get3A_5, %get3A_6] : memref<1x128xf32, #tpu.memory_space<vmem>>, vector<1x128xf32>
    %get3A_8 = arith.constant 0 : index
    %get3A_9 = arith.constant 0 : index
    %get3A_10 = vector.load %arg9[%get3A_8, %get3A_9] : memref<1x128xf32, #tpu.memory_space<vmem>>, vector<1x128xf32>
    %reduce_sum3A = arith.constant dense<0.000000e+00> : vector<400xf32>
    %reduce_sum3A_11 = vector.multi_reduction <add>, %add3A, %reduce_sum3A [1] : vector<400x128xf32> to vector<400xf32>
    %broadcast_in_dim3A = vector.shape_cast %reduce_sum3A_11 : vector<400xf32> to vector<400x1xf32>
    %div3A = arith.constant 1.280000e+02 : f32
    %div3A_12 = vector.broadcast %div3A : f32 to vector<400x1xf32>
    %div3A_13 = arith.divf %broadcast_in_dim3A, %div3A_12 : vector<400x1xf32>
    %sub3A = vector.broadcast %div3A_13 : vector<400x1xf32> to vector<400x128xf32>
    %sub3A_14 = arith.subf %add3A, %sub3A : vector<400x128xf32>
    %integer_pow3A = arith.mulf %sub3A_14, %sub3A_14 : vector<400x128xf32>
    %reduce_sum3A_15 = arith.constant dense<0.000000e+00> : vector<400xf32>
    %reduce_sum3A_16 = vector.multi_reduction <add>, %integer_pow3A, %reduce_sum3A_15 [1] : vector<400x128xf32> to vector<400xf32>
    %broadcast_in_dim3A_17 = vector.shape_cast %reduce_sum3A_16 : vector<400xf32> to vector<400x1xf32>
    %div3A_18 = arith.constant 1.280000e+02 : f32
    %div3A_19 = vector.broadcast %div3A_18 : f32 to vector<400x1xf32>
    %div3A_20 = arith.divf %broadcast_in_dim3A_17, %div3A_19 : vector<400x1xf32>
    %sub3A_21 = vector.broadcast %div3A_13 : vector<400x1xf32> to vector<400x128xf32>
    %sub3A_22 = arith.subf %add3A, %sub3A_21 : vector<400x128xf32>
    %add3A_23 = arith.constant 9.99999974E-6 : f32
    %add3A_24 = vector.broadcast %add3A_23 : f32 to vector<400x1xf32>
    %add3A_25 = arith.addf %div3A_20, %add3A_24 : vector<400x1xf32>
    %rsqrt3A = math.rsqrt %add3A_25 : vector<400x1xf32>
    %mul3A = vector.broadcast %rsqrt3A : vector<400x1xf32> to vector<400x128xf32>
    %mul3A_26 = arith.mulf %sub3A_22, %mul3A : vector<400x128xf32>
    %mul3A_27 = vector.broadcast %get3A_7 : vector<1x128xf32> to vector<400x128xf32>
    %mul3A_28 = arith.mulf %mul3A_26, %mul3A_27 : vector<400x128xf32>
    %add3A_29 = vector.broadcast %get3A_10 : vector<1x128xf32> to vector<400x128xf32>
    %add3A_30 = arith.addf %mul3A_28, %add3A_29 : vector<400x128xf32>
    %get3A_31 = arith.constant 0 : index
    %get3A_32 = arith.constant 0 : index
    %get3A_33 = vector.load %arg4[%get3A_31, %get3A_32] : memref<128x128xf32, #tpu.memory_space<vmem>>, vector<128x128xf32>
    %dot_general3A = arith.constant dense<0.000000e+00> : vector<400x128xf32>
    %dot_general3A_34 = tpu.matmul %add3A_30, %get3A_33, %dot_general3A {dimension_numbers = #tpu.dot_dimension_numbers<[1], [1], [0], [0], [0, 0, 1, 0], [], []>, transpose_lhs_hint = false} : vector<400x128xf32>, vector<128x128xf32>, vector<400x128xf32> -> vector<400x128xf32>
    %get3A_35 = arith.constant 0 : index
    %get3A_36 = arith.constant 0 : index
    %get3A_37 = vector.load %arg5[%get3A_35, %get3A_36] : memref<1x128xf32, #tpu.memory_space<vmem>>, vector<1x128xf32>
    %add3A_38 = vector.broadcast %get3A_37 : vector<1x128xf32> to vector<400x128xf32>
    %add3A_39 = arith.addf %dot_general3A_34, %add3A_38 : vector<400x128xf32>
    %mul3A_40 = arith.constant 5.000000e-01 : f32
    %mul3A_41 = vector.broadcast %mul3A_40 : f32 to vector<400x128xf32>
    %mul3A_42 = arith.mulf %mul3A_41, %add3A_39 : vector<400x128xf32>
    %div3A_43 = arith.constant 1.41421354 : f32
    %div3A_44 = vector.broadcast %div3A_43 : f32 to vector<400x128xf32>
    %div3A_45 = arith.divf %add3A_39, %div3A_44 : vector<400x128xf32>
    %erf3A = math.erf %div3A_45 : vector<400x128xf32>
    %add3A_46 = arith.constant 1.000000e+00 : f32
    %add3A_47 = vector.broadcast %add3A_46 : f32 to vector<400x128xf32>
    %add3A_48 = arith.addf %add3A_47, %erf3A : vector<400x128xf32>
    %mul3A_49 = arith.mulf %mul3A_42, %add3A_48 : vector<400x128xf32>
    %get3A_50 = arith.constant 0 : index
    %get3A_51 = arith.constant 0 : index
    %get3A_52 = vector.load %arg6[%get3A_50, %get3A_51] : memref<128x128xf32, #tpu.memory_space<vmem>>, vector<128x128xf32>
    %dot_general3A_53 = arith.constant dense<0.000000e+00> : vector<400x128xf32>
    %dot_general3A_54 = tpu.matmul %mul3A_49, %get3A_52, %dot_general3A_53 {dimension_numbers = #tpu.dot_dimension_numbers<[1], [1], [0], [0], [0, 0, 1, 0], [], []>, transpose_lhs_hint = false} : vector<400x128xf32>, vector<128x128xf32>, vector<400x128xf32> -> vector<400x128xf32>
    %get3A_55 = arith.constant 0 : index
    %get3A_56 = arith.constant 0 : index
    %get3A_57 = vector.load %arg7[%get3A_55, %get3A_56] : memref<1x128xf32, #tpu.memory_space<vmem>>, vector<1x128xf32>
    %add3A_58 = vector.broadcast %get3A_57 : vector<1x128xf32> to vector<400x128xf32>
    %add3A_59 = arith.addf %dot_general3A_54, %add3A_58 : vector<400x128xf32>
    %add3A_60 = arith.addf %add3A_59, %add3A_30 : vector<400x128xf32>
    %reduce_sum3A_61 = arith.constant dense<0.000000e+00> : vector<400xf32>
    %reduce_sum3A_62 = vector.multi_reduction <add>, %add3A_60, %reduce_sum3A_61 [1] : vector<400x128xf32> to vector<400xf32>
    %broadcast_in_dim3A_63 = vector.shape_cast %reduce_sum3A_62 : vector<400xf32> to vector<400x1xf32>
    %div3A_64 = arith.constant 1.280000e+02 : f32
    %div3A_65 = vector.broadcast %div3A_64 : f32 to vector<400x1xf32>
    %div3A_66 = arith.divf %broadcast_in_dim3A_63, %div3A_65 : vector<400x1xf32>
    %sub3A_67 = vector.broadcast %div3A_66 : vector<400x1xf32> to vector<400x128xf32>
    %sub3A_68 = arith.subf %add3A_60, %sub3A_67 : vector<400x128xf32>
    %integer_pow3A_69 = arith.mulf %sub3A_68, %sub3A_68 : vector<400x128xf32>
    %reduce_sum3A_70 = arith.constant dense<0.000000e+00> : vector<400xf32>
    %reduce_sum3A_71 = vector.multi_reduction <add>, %integer_pow3A_69, %reduce_sum3A_70 [1] : vector<400x128xf32> to vector<400xf32>
    %broadcast_in_dim3A_72 = vector.shape_cast %reduce_sum3A_71 : vector<400xf32> to vector<400x1xf32>
    %div3A_73 = arith.constant 1.280000e+02 : f32
    %div3A_74 = vector.broadcast %div3A_73 : f32 to vector<400x1xf32>
    %div3A_75 = arith.divf %broadcast_in_dim3A_72, %div3A_74 : vector<400x1xf32>
    %sub3A_76 = vector.broadcast %div3A_66 : vector<400x1xf32> to vector<400x128xf32>
    %sub3A_77 = arith.subf %add3A_60, %sub3A_76 : vector<400x128xf32>
    %add3A_78 = arith.constant 9.99999974E-6 : f32
    %add3A_79 = vector.broadcast %add3A_78 : f32 to vector<400x1xf32>
    %add3A_80 = arith.addf %div3A_75, %add3A_79 : vector<400x1xf32>
    %rsqrt3A_81 = math.rsqrt %add3A_80 : vector<400x1xf32>
    %mul3A_82 = vector.broadcast %rsqrt3A_81 : vector<400x1xf32> to vector<400x128xf32>
    %mul3A_83 = arith.mulf %sub3A_77, %mul3A_82 : vector<400x128xf32>
    %mul3A_84 = vector.broadcast %get3A_7 : vector<1x128xf32> to vector<400x128xf32>
    %mul3A_85 = arith.mulf %mul3A_83, %mul3A_84 : vector<400x128xf32>
    %add3A_86 = vector.broadcast %get3A_10 : vector<1x128xf32> to vector<400x128xf32>
    %add3A_87 = arith.addf %mul3A_85, %add3A_86 : vector<400x128xf32>
    %get3A_88 = arith.constant 0 : index
    %get3A_89 = arith.constant 0 : index
    %get3A_90 = vector.load %arg3[%get3A_88, %get3A_89] : memref<400x1xi32, #tpu.memory_space<vmem>>, vector<400x1xi32>
    %ge3A = arith.constant 0 : i32
    %ge3A_91 = vector.broadcast %ge3A : i32 to vector<400x1xi32>
    %ge3A_92 = arith.cmpi sge, %get3A_90, %ge3A_91 : vector<400x1xi32>
    %broadcast_in_dim3A_93 = vector.shape_cast %ge3A_92 : vector<400x1xi1> to vector<400x1xi1>
    %broadcast_in_dim3A_94 = vector.broadcast %broadcast_in_dim3A_93 : vector<400x1xi1> to vector<400x128xi1>
    %select_n3A = arith.select %broadcast_in_dim3A_94, %add3A_87, %get3A_1 : vector<400x128xi1>, vector<400x128xf32>
    %swap3A = arith.constant 0 : index
    %swap3A_95 = arith.constant 0 : index
    %swap3A_96 = vector.load %arg10[%swap3A, %swap3A_95] : memref<400x128xf32, #tpu.memory_space<vmem>>, vector<400x128xf32>
    tpu.vector_store %arg10[%swap3A, %swap3A_95], %select_n3A {strides = array<i32>} : memref<400x128xf32, #tpu.memory_space<vmem>>, vector<400x128xf32>,
    return
  }
  func.func @transform_0(%arg0: i32) -> (i32, i32) {
    %c0_i32 = arith.constant 0 : i32
    %c0_i32_0 = arith.constant 0 : i32
    return %arg0, %c0_i32 : i32, i32
  }
  func.func @transform_1(%arg0: i32) -> (i32, i32) {
    %c0_i32 = arith.constant 0 : i32
    %c0_i32_0 = arith.constant 0 : i32
    return %arg0, %c0_i32 : i32, i32
  }
  func.func @transform_2(%arg0: i32) -> (i32, i32) {
    %c0_i32 = arith.constant 0 : i32
    %c0_i32_0 = arith.constant 0 : i32
    return %arg0, %c0_i32 : i32, i32
  }
  func.func @transform_3(%arg0: i32) -> (i32, i32) {
    %c0_i32 = arith.constant 0 : i32
    %c0_i32_0 = arith.constant 0 : i32
    %c0_i32_1 = arith.constant 0 : i32
    return %c0_i32, %c0_i32_0 : i32, i32
  }
  func.func @transform_4(%arg0: i32) -> (i32, i32) {
    %c0_i32 = arith.constant 0 : i32
    %c0_i32_0 = arith.constant 0 : i32
    %c0_i32_1 = arith.constant 0 : i32
    return %c0_i32, %c0_i32_0 : i32, i32
  }
  func.func @transform_5(%arg0: i32) -> (i32, i32) {
    %c0_i32 = arith.constant 0 : i32
    %c0_i32_0 = arith.constant 0 : i32
    %c0_i32_1 = arith.constant 0 : i32
    return %c0_i32, %c0_i32_0 : i32, i32
  }
  func.func @transform_6(%arg0: i32) -> (i32, i32) {
    %c0_i32 = arith.constant 0 : i32
    %c0_i32_0 = arith.constant 0 : i32
    %c0_i32_1 = arith.constant 0 : i32
    return %c0_i32, %c0_i32_0 : i32, i32
  }
  func.func @transform_7(%arg0: i32) -> (i32, i32) {
    %c0_i32 = arith.constant 0 : i32
    %c0_i32_0 = arith.constant 0 : i32
    %c0_i32_1 = arith.constant 0 : i32
    return %c0_i32, %c0_i32_0 : i32, i32
  }
  func.func @transform_8(%arg0: i32) -> (i32, i32) {
    %c0_i32 = arith.constant 0 : i32
    %c0_i32_0 = arith.constant 0 : i32
    %c0_i32_1 = arith.constant 0 : i32
    return %c0_i32, %c0_i32_0 : i32, i32
  }
  func.func @transform_9(%arg0: i32) -> (i32, i32) {
    %c0_i32 = arith.constant 0 : i32
    %c0_i32_0 = arith.constant 0 : i32
    return %arg0, %c0_i32 : i32, i32
  }
}

</mosaic_0001>

<sc_bundles>
// kernel: kernel.5.cloned.1.call-start
scs
__scs_entry_jumppad:
0x0: {  	(pc) =	sbr.rel $0x88, $3  }
0x1: {  	(tag) =	ssettag $0x0;
	lr =	simm.s32 $0x1  }
0x2: {  	[smem:$0x3F99] =	sst lr;
	_ =	strace $0xD0000000  }
0x3: {  	_ = 	snop  }
0x4: {  	_ = 	snop  }
0x5: {  	_ = 	snop  }
0x6: {  	_ = 	snop  }
0x7: {  	_ = 	snop  }
__scs_overlays_trampoline_lowered:
0x8: {  	[smem:$0x3FA8] =	sst s0  }
0x9: {  	[smem:$0x3FA9] =	sst s1  }
0xa: {  	[smem:$0x3FAA] =	sst s2  }
0xb: {  	[smem:$0x3FAB] =	sst s3  }
0xc: {  	[smem:$0x3FAC] =	sst s4  }
0xd: {  	[smem:$0x3FAD] =	sst s5  }
0xe: {  	[smem:$0x3FAE] =	sst s6  }
0xf: {  	[smem:$0x3FAF] =	sst s7  }
0x10: {  	[smem:$0x3FB0] =	sst s8  }
0x11: {  	[smem:$0x3FB1] =	sst s9;
	s0 =	simm.s32 @!p0 $0x0  }
0x12: {  	s1 =	sld [smem:$0x3F97];
	s0 =	simm.s32 @p0 $0x1  }
0x13: {  	[smem:$0x3FB2] =	sst s0;
	s0 =	simm.s32 @!p1 $0x0  }
0x14: {  	s2 =	sld [smem:$0x3F96];
	s0 =	simm.s32 @p1 $0x1  }
0x15: {  	[smem:$0x3FB3] =	sst s0;
	s0 =	simm.s32 @!p2 $0x0  }
0x16: {  	s3 =	sld [smem:$0x3FDB];
	s0 =	simm.s32 @p2 $0x1  }
0x17: {  	s4 =	simm.s32 $0x1BF5;
	[smem:$0x3FB5] =	sst s0  }
0x18: {  	s0 =	sld [smem:$0x3F98];
	_ =	swait.ge [sflag:s4], $0x0  }
0x19: {  	s7 =	sld [smem:$0x3F99]  }
0x1a: {  	s8 =	sadd.s32 $0xFFFFE003, lr  }
0x1b: {  	s9 =	sadd.s32 $0xFFFFFEF7, lr;
	s5 =	simm.s32 $0xFFFFFFFF;
	p2 =	slt.u32 s8, $0xFFFFF086  }
0x1c: {  	p1 =	slt.u32 s9, $0xF7A;
	s5 =	simm.s32 @!p2 $0x0  }
0x1d: {  	s5 =	simm.s32 @p1 $0x1;
	p0 =	seq.s32 s7, s2  }
0x1e: {  	s7 =	smul.u32 @!p0 $0xF7A, s2;
	p2 =	seq.s32 @!p0 s5, $0x0  }
0x1f: {  	s9 =	smul.u32 $0xF7A, s1;
	s8 =	simm.s32 @!p0 $0x1BF5;
	p2 =	por !p2, p0  }
0x20: {  	[sflag:s8] =	ssyncset.s32 @!p0 $0xFFFFF086;
	s6 =	sadd.s32 @!p0 s3, s7;
	s7 =	simm.s32 @!p0 $0x108  }
0x21: {  	s3 =	sadd.s32 s3, s9;
	s6 =	sadd.s32 @!p0 $0x88, s6;
	s7 =	simm.s32 @p2 $0x1082  }
0x22: {  	[simem:s7], [sflag:s8] =	dma.local @!p0 [hbm:s6], $0xF7A  }
0x23: {  	s9 =	sor.u32 $0xD0000000, s2;
	s6 =	simm.s32 $0x108;
	_ =	swait.ge @!p0 [sflag:s8], $0x0  }
0x24: {  	s3 =	sadd.s32 $0x88, s3;
	s6 =	simm.s32 @!p1 $0x1082;
	[sflag:s4] =	ssyncset.s32 $0xFFFFF086  }
0x25: {  	[simem:s6], [sflag:s4] =	dma.local [hbm:s3], $0xF7A  }
0x26: {  	[smem:$0x3F99] =	sst s1;
	(tag) =	ssettag s2;
	_ =	strace s9  }
0x27: {  	s1 =	sld [smem:$0x3FA9]  }
0x28: {  	s2 =	sld [smem:$0x3FAA]  }
0x29: {  	s4 =	sld [smem:$0x3FAC]  }
0x2a: {  	p0 =	seq.s32 s5, $0x0;
	s5 =	sld [smem:$0x3FAD]  }
0x2b: {  	s6 =	sld [smem:$0x3FAE]  }
0x2c: {  	s7 =	sld [smem:$0x3FAF]  }
0x2d: {  	s3 =	simm.s32 $0x108;
	s8 =	sld [smem:$0x3FB0]  }
0x2e: {  	s3 =	simm.s32 @!p0 $0x1082;
	s9 =	sld [smem:$0x3FB1]  }
0x2f: {  	lr =	sadd.s32 s0, s3;
	s0 =	sld [smem:$0x3FA8]  }
0x30: {  	s3 =	sld [smem:$0x3FAB]  }
0x31: {  	[smem:$0x3FB4] =	sst s10  }
0x32: {  	s10 =	sld [smem:$0x3FB2];
	_ =	sdelay $0x3  }
0x33: {  	p0 =	seq.s32 s10, $0x1;
	s10 =	sld [smem:$0x3FB4];
	_ =	sdelay $0x3  }
0x34: {  	[smem:$0x3FB4] =	sst s10  }
0x35: {  	s10 =	sld [smem:$0x3FB3];
	_ =	sdelay $0x3  }
0x36: {  	p1 =	seq.s32 s10, $0x1;
	s10 =	sld [smem:$0x3FB4];
	_ =	sdelay $0x3  }
0x37: {  	[smem:$0x3FB4] =	sst s10  }
0x38: {  	s10 =	sld [smem:$0x3FB5]  }
0x39: {  	_ = 	snop;
	(pc) =	sbr.ind lr, $3  }
0x3a: {  	_ = 	snop  }
0x3b: {  	_ = 	snop  }
0x3c: {  	p2 =	seq.s32 s10, $0x1;
	s10 =	sld [smem:$0x3FB4]  }
0x3d: {  	_ =	shalt  }
0x3e: {  	_ =	shalt  }
0x3f: {  	_ =	shalt  }
0x40: {  	_ =	shalt  }
0x41: {  	_ =	shalt  }
0x42: {  	_ =	shalt  }
0x43: {  	_ =	shalt  }
0x44: {  	_ =	shalt  }
0x45: {  	_ =	shalt  }
0x46: {  	_ =	shalt  }
0x47: {  	_ =	shalt  }
0x48: {  	_ =	shalt  }
0x49: {  	_ =	shalt  }
0x4a: {  	_ =	shalt  }
0x4b: {  	_ =	shalt  }
0x4c: {  	_ =	shalt  }
0x4d: {  	_ =	shalt  }
0x4e: {  	_ =	shalt  }
0x4f: {  	_ =	shalt  }
0x50: {  	_ =	shalt  }
0x51: {  	_ =	shalt  }
0x52: {  	_ =	shalt  }
0x53: {  	_ =	shalt  }
0x54: {  	_ =	shalt  }
0x55: {  	_ =	shalt  }
0x56: {  	_ =	shalt  }
0x57: {  	_ =	shalt  }
0x58: {  	_ =	shalt  }
0x59: {  	_ =	shalt  }
0x5a: {  	_ =	shalt  }
0x5b: {  	_ =	shalt  }
0x5c: {  	_ =	shalt  }
0x5d: {  	_ =	shalt  }
0x5e: {  	_ =	shalt  }
0x5f: {  	_ =	shalt  }
0x60: {  	_ =	shalt  }
0x61: {  	_ =	shalt  }
0x62: {  	_ =	shalt  }
0x63: {  	_ =	shalt  }
0x64: {  	_ =	shalt  }
0x65: {  	_ =	shalt  }
0x66: {  	_ =	shalt  }
0x67: {  	_ =	shalt  }
0x68: {  	_ =	shalt  }
0x69: {  	_ =	shalt  }
0x6a: {  	_ =	shalt  }
0x6b: {  	_ =	shalt  }
0x6c: {  	_ =	shalt  }
0x6d: {  	_ =	shalt  }
0x6e: {  	_ =	shalt  }
0x6f: {  	_ =	shalt  }
0x70: {  	_ =	shalt  }
0x71: {  	_ =	shalt  }
0x72: {  	_ =	shalt  }
0x73: {  	_ =	shalt  }
0x74: {  	_ =	shalt  }
0x75: {  	_ =	shalt  }
0x76: {  	_ =	shalt  }
0x77: {  	_ =	shalt  }
0x78: {  	_ =	shalt  }
0x79: {  	_ =	shalt  }
0x7a: {  	_ =	shalt  }
0x7b: {  	_ =	shalt  }
0x7c: {  	_ =	shalt  }
0x7d: {  	_ =	shalt  }
0x7e: {  	_ =	shalt  }
0x7f: {  	_ =	shalt  }
0x80: {  	_ =	shalt  }
0x81: {  	_ =	shalt  }
0x82: {  	_ =	shalt  }
0x83: {  	_ =	shalt  }
0x84: {  	_ =	shalt  }
0x85: {  	_ =	shalt  }
0x86: {  	_ =	shalt  }
0x87: {  	_ =	shalt  }
.Lfunc_end0:
.L_simem_size_0:
called_computation_lowered:
.L_overlay_start_0:
0x88: {  	s2 =	sld [smem:$0x3FD9]  }
0x89: {  	s3 =	sld [smem:$0x3FFE];
	_ =	sdelay $0x1  }
0x8a: {  	s1 =	srdreg.scid  }
0x8b: {  	s0 =	sand.u32 $0x1, s1  }
0x8c: {  	s17 =	sshll.u32 s0, $0xA;
	s2 =	sadd.s32 s3, s2  }
0x8d: {  	s2 =	sadd.s32 s2, s17  }
0x8e: {  	[smem:$0x3FC0] =	sst s2  }
0x8f: {  	_ = 	snop  }
0x90: {  	s2 =	sld [smem:$0x3FD0];
	(tm) =	ssettm $0x1  }
0x91: {  	s18 =	sld [smem:$0x3FFB];
	_ =	sdelay $0x3  }
0x92: {  	_ =	strace s18  }
0x93: {  	s3 =	sld [smem:$0x3FFC];
	_ =	sdelay $0x3  }
0x94: {  	_ =	strace s3  }
0x95: {  	s3 =	sld [smem:$0x3FFD];
	_ =	sdelay $0x3  }
0x96: {  	_ =	strace s3  }
0x97: {  	_ =	strace $0x8FFFFFFF  }
0x98: {  	s19 =	sld [smem:$0x3FDB];
	_ =	sdelay $0x1  }
0x99: {  	s4 =	simm.s32 $_scs_section_size  }
0x9a: {  	s5 =	simm.s32 $_size__tile_overlayer_lowered;
	s6 =	simm.s32 $_tile_overlayer_lowered  }
0x9b: {  	s22 =	simm.s32 $0x1BFF;
	s21 =	sshll.u32 s6, $0x1;
	s3 =	sadd.s32 s4, s19  }
0x9c: {  	s7 =	simm.s32 $0x0;
	s20 =	sshll.u32 s5, $0x1;
	s5 =	sadd.s32 s21, s3  }
0x9d: {  	[timem:s7], [sflag:s22] =	dma.local [hbm:s5], s20  }
0x9e: {  	_ =	swait.ge [sflag:s22], s20  }
0x9f: {  	s4 =	ssub.s32 $0x0, s20;
	[sflag:s22] =	ssyncset.done $0x0  }
0xa0: {  	[sflag:s22] =	ssyncadd.s32 s4;
	_ =	sdelay $0x1  }
0xa1: {  	s23 =	simm.s32 $0x1B8B  }
0xa2: {  	_ =	swait.ge [sflag:s23], $0x1  }
0xa3: {  	[sflag:s23] =	ssyncset.done $0x0  }
0xa4: {  	s25 =	simm.s32 $0x1B8E;
	s24 =	sld [smem:$0x3FFE];
	[sflag:s23] =	ssyncadd.s32 $0xFFFFFFFF  }
0xa5: {  	s26 =	simm.s32 $execute0_lowered;
	[smem:$0x3FD2] =	sst s25  }
0xa6: {  	s5 =	sshll.u32 s26, $0x1;
	_ =	strace $0x80000046;
	[dreg:$0x1] =	wrdreg $0xFFFFFFFF  }
0xa7: {  	s28 =	simm.s32 $_size_execute0_lowered;
	s3 =	sadd.s32 s3, s5;
	[dreg:$0x0] =	wrdreg $0x0  }
0xa8: {  	s5 =	sshll.u32 s28, $0x1;
	[dreg:$0x2] =	wrdreg s3  }
0xa9: {  	[dreg:$0x3] =	wrdreg s5  }
0xaa: {  	[dreg:$0x4] =	wrdreg $0xC0  }
0xab: {  	_ =	task [dreg:s7], $0x5FFFF  }
0xac: {  	[dreg:$0x1] =	wrdreg $0xFFFFFFFF  }
0xad: {  	[dreg:$0x0] =	wrdreg $0x60  }
0xae: {  	[dreg:$0x2] =	wrdreg s24  }
0xaf: {  	[dreg:$0x3] =	wrdreg s2  }
0xb0: {  	[dreg:$0x4] =	wrdreg $0x9  }
0xb1: {  	_ =	task.clear_ibuf [dreg:s7], $0x5FFFF;
	_ =	strace $0x90000046  }
0xb2: {  	s29 =	simm.s32 $0x9;
	_ =	strace $0x80000048  }
0xb3: {  	_ =	swait.ge [sflag:s29], $0x1  }
0xb4: {  	[sflag:s29] =	ssyncadd.s32 $0xFFFFFFFF  }
0xb5: {  	_ =	strace $0x90000048  }
0xb6: {  	_ =	sfence  }
0xb7: {  	s30 =	sld [smem:$0x0];
	_ =	sdelay $0x2  }
0xb8: {  	s31 =	sshll.u32 s1, $0xD;
	s1 =	sshrl.u32 s1, $0x2  }
0xb9: {  	s3 =	sand.u32 $0x4000, s31;
	s1 =	sadd.s32 s1, s30  }
0xba: {  	s0 =	sor.u32 s3, s0;
	s1 =	sshll.u32 s1, $0x11  }
0xbb: {  	s0 =	sor.u32 s1, s0  }
0xbc: {  	s0 =	sadd.s32 $0x8F2B, s0  }
0xbd: {  	[sflag:s0] =	ssyncadd.remote.s32 $0x1  }
0xbe: {  	_ =	sfence.sel $0xFFFF  }
0xbf: {  	[dreg:$0x0] =	wrdreg $0xFFFFFFFF;
	(pc) =	sbr.abs _section_cstart, $3  }
0xc0: {  	[dreg:$0x1] =	wrdreg $0xFFFFFFFF  }
0xc1: {  	_ =	task.clear_ibuf [dreg:s7], $0x2FFFF;
	_ =	strace $0x9FFFFFFF  }
0xc2: {  	(tm) =	ssettm $0x7FFFFFFF  }
0xc3: {  	_ =	shalt  }
tec
execute0_lowered:
.L_overlay_start_1:
0x0: {  	(tag) =	ssettag $0x1  }
0x1: {  	s3 =	rddreg [dreg:$0x0];
	s1 =	srdreg.scid  }
0x2: {  	s0 =	stileid.u32;
	s4 =	rddreg [dreg:$0x1];
	s10 =	simm.s32 $0x4F00  }
0x3: {  	s11 =	simm.s32 $0x80;
	s12 =	simm.s32 $0x400;
	s13 =	simm.s32 $0x3  }
0x4: {  	s14 =	simm.s32 $0x0;
	s5 =	sand.u32 $0x1, s1;
	s2 =	sshll.u32 s0, $0x1  }
0x5: {  	s1 =	rddreg [dreg:$0x2];
	s7 =	sshrl.u32 s0, $0x2;
	s6 =	sor.u32 s5, s2  }
0x6: {  	s2 =	simm.s32 $0x0;
	s7 =	smul.u32 $0x14000, s7;
	s5 =	ssub.s32 $0x2, s5  }
0x7: {  	s8 =	sshll.u32 s6, $0x7;
	[smem:$0x7FF] =	sst s2;
	s6 =	smul.u32 $0x4E2, s6  }
0x8: {  	s31 =	sshrl.u32 s5, $0x1;
	s8 =	sand.u32 $0x380, s8;
	_ =	strace $0x80000047  }
0x9: {  	s7 =	sor.u32 s7, s8;
	s9 =	sadd.s32 s6, s3;
	s8 =	ssub.s32 s5, s31  }
0xa: {  	s4 =	sadd.s32 s4, s6;
	s7 =	sshrl.u32 s7, $0x3;
	s6 =	smax.u32 s8, $0x1  }
0xb: {  	v1 =	vlaneseq.u32;
	s8 =	simm.s32 $0x1;
	s7 =	sadd.s32 s7, s3;
	s3 =	sadd.s32 $0x1A00, s9  }
0xc: {  	v0 =	vimm.s32 $0xFFFFFFFF;
	v1 =	vmul.u32 $0x4000, v1;
	s9 =	simm.s32 $0x2;
	s5 =	sadd.s32 $0xB800, s7;
	s7 =	simm.s32 $0x2780  }
.LBB2_1:
0xd: {  	[tilespmem:s2], [sflag:$0x1] =	stream.linear.gather [hbm4b:s3+s2], $0x2710, $0x38;
	[tilespmem:$0x7700] =	vst v63  }
0xe: {  	s15 =	simm.s32 $0x40;
	s16 =	simm.s32 $0x0  }
0xf: {  	[tilespmem:s7], [sflag:$0x2] =	stream.linear.gather [hbm4b:s4+s2], $0x2710, $0x38;
	[tilespmem:$0x7700] =	vst v63  }
.LBB2_2:
0x10: {  	p0 =	sne.s32 s15, $0x9FC0;
	[tilespmem:s16+$0x4F00] =	vst v0;
	s16 =	smov.u32 s15;
	s15 =	sadd.s32 $0x40, s15  }
.Ltmp0:
0x11: {  	(pc) =	sbr.rel @p0 .LBB2_2-.Ltmp0, $2  }
0x12: {  	_ =	sdelay $0x2  }
0x13: {  	s16 =	sshra.s32 s16, $0x2  }
0x14: {  	[tilespmem:s16+$0x4F00] =	vst v0  }
0x15: {  	_ =	swait.ge [sflag:s8], $0x2710  }
0x16: {  	[sflag:s8] =	ssyncset.done $0x0  }
0x17: {  	[sflag:s8] =	ssyncadd.s32 $0xFFFFD8F0  }
0x18: {  	_ =	swait.ge [sflag:s9], $0x2710  }
0x19: {  	[sflag:s9] =	ssyncset.done $0x0  }
0x1a: {  	s31 =	simm.s32 $0x0;
	[sflag:s9] =	ssyncadd.s32 $0xFFFFD8F0  }
0x1b: {  	v2 =	vld [tilespmem:s31+$0x0]  }
0x1c: {  	s15 =	simm.s32 $0x2780  }
0x1d: {  	v3 =	vld [tilespmem:s15+$0x0];
	_ =	sdelay $0x1  }
0x1e: {  	v4 =	vmov s31  }
0x1f: {  	v4 =	vshll.u32 v4, $0xE  }
0x20: {  	v4 =	vor.u32 v1, v4  }
0x21: {  	v3 =	vor.u32 v4, v3  }
0x22: {  	s16 =	simm.s32 $0x10;
	[tilespmem:v2+s10+$0x0] =	vst.idx.msk $0xffff, v3  }
0x23: {  	s17 =	simm.s32 $0x20;
	s18 =	simm.s32 $0x10;
	v2 =	vld [tilespmem:s16+$0x0]  }
.LBB2_4:
0x24: {  	p0 =	sne.s32 s17, $0x2700;
	s15 =	sadd.s32 $0x10, s15  }
0x25: {  	v3 =	vld [tilespmem:s15+$0x0];
	_ =	sdelay $0x1  }
0x26: {  	v4 =	vmov s16;
	s16 =	smov.u32 s17  }
.Ltmp1:
0x27: {  	v4 =	vshll.u32 v4, $0xE;
	(pc) =	sbr.rel @p0 .LBB2_4-.Ltmp1, $4  }
0x28: {  	v4 =	vor.u32 v1, v4  }
0x29: {  	v3 =	vor.u32 v4, v3  }
0x2a: {  	s18 =	sadd.s32 $0x10, s18;
	[tilespmem:v2+s10+$0x0] =	vst.idx.msk $0xffff, v3  }
0x2b: {  	s17 =	sadd.s32 $0x10, s17;
	v2 =	vld [tilespmem:s18+$0x0]  }
0x2c: {  	_ = 	snop  }
0x2d: {  	s15 =	sadd.s32 $0x10, s15  }
0x2e: {  	v3 =	vld [tilespmem:s15+$0x0];
	_ =	sdelay $0x1  }
0x2f: {  	v4 =	vmov s16  }
0x30: {  	v4 =	vshll.u32 v4, $0xE  }
0x31: {  	s14 =	sadd.s32 $0x1, s14;
	v4 =	vor.u32 v1, v4  }
0x32: {  	p0 =	sne.s32 s14, s6;
	v3 =	vor.u32 v4, v3  }
.Ltmp2:
0x33: {  	[tilespmem:v2+s10+$0x0] =	vst.idx.msk $0xffff, v3;
	(pc) =	sbr.rel @p0 .LBB2_1-.Ltmp2, $4  }
0x34: {  	[hbm4b:s5+s11] =	stream.strided.scatter [tilespmem:s10], [sflag:$0x3], $0x2800, s12, s11, $0x38;
	[tilespmem:$0x7700] =	vst v63  }
0x35: {  	_ =	swait.ge [sflag:s13], $0x2800  }
0x36: {  	[sflag:s13] =	ssyncset.done $0x0  }
0x37: {  	[sflag:s13] =	ssyncadd.s32 $0xFFFFD800  }
0x38: {  	_ =	sfence.sel $0x180000  }
0x39: {  	[bflag:$0x0] =	sbarrier.arrive $0xFFFF  }
0x3a: {  	p0 =	sne.s32 s0, $0x0;
	_ =	strace $0x90000047  }
0x3b: {  	s0 =	sadd.s32 @!p0 $0x100000, s1;
	[bflag:$0x2] =	sbarrier.arrive $0xFFFF  }
0x3c: {  	[sflag:s0] =	ssyncadd.tile.s32 @!p0 $0x1;
	_ =	shalt  }
.Lfunc_end2:
_tile_overlayer_lowered:
.L_overlay_start_2:
0x3d: {  	(tag) =	ssettag $0x2  }
0x3e: {  	s0 =	rddreg [dreg:$0x0];
	s2 =	stileid.u32  }
0x3f: {  	s1 =	rddreg [dreg:$0x1];
	p0 =	sne.s32 s2, $0x0  }
0x40: {  	s3 =	rddreg [dreg:$0x2];
	[bflag:$0x3] =	sbarrier.arrive $0xFFFF;
	s2 =	simm.s32 @!p0 $0x1C03  }
0x41: {  	[timem:s3], [sflag:s2] =	dma.local @!p0 [hbm:s0], s1  }
0x42: {  	s0 =	simm.s32 @!p0 $0x3  }
0x43: {  	_ =	swait.ge @!p0 [sflag:s0], s1  }
0x44: {  	s1 =	ssub.s32 @!p0 $0x0, s1;
	[sflag:s0] =	ssyncset.done @!p0 $0x0  }
0x45: {  	[sflag:s0] =	ssyncadd.s32 @!p0 s1  }
0x46: {  	[bflag:$0x3] =	sbarrier.arrive $0xFFFF  }
0x47: {  	_ =	shalt  }

// kernel: kernel.8.cloned.1.call-start
scs
__scs_entry_jumppad:
0x0: {  	(pc) =	sbr.rel $0x88, $3  }
0x1: {  	(tag) =	ssettag $0x0;
	lr =	simm.s32 $0x1  }
0x2: {  	[smem:$0x3F99] =	sst lr;
	_ =	strace $0xD0000000  }
0x3: {  	_ = 	snop  }
0x4: {  	_ = 	snop  }
0x5: {  	_ = 	snop  }
0x6: {  	_ = 	snop  }
0x7: {  	_ = 	snop  }
__scs_overlays_trampoline_lowered:
0x8: {  	[smem:$0x3FA8] =	sst s0  }
0x9: {  	[smem:$0x3FA9] =	sst s1  }
0xa: {  	[smem:$0x3FAA] =	sst s2  }
0xb: {  	[smem:$0x3FAB] =	sst s3  }
0xc: {  	[smem:$0x3FAC] =	sst s4  }
0xd: {  	[smem:$0x3FAD] =	sst s5  }
0xe: {  	[smem:$0x3FAE] =	sst s6  }
0xf: {  	[smem:$0x3FAF] =	sst s7  }
0x10: {  	[smem:$0x3FB0] =	sst s8  }
0x11: {  	[smem:$0x3FB1] =	sst s9;
	s0 =	simm.s32 @!p0 $0x0  }
0x12: {  	s1 =	sld [smem:$0x3F97];
	s0 =	simm.s32 @p0 $0x1  }
0x13: {  	[smem:$0x3FB2] =	sst s0;
	s0 =	simm.s32 @!p1 $0x0  }
0x14: {  	s2 =	sld [smem:$0x3F96];
	s0 =	simm.s32 @p1 $0x1  }
0x15: {  	[smem:$0x3FB3] =	sst s0;
	s0 =	simm.s32 @!p2 $0x0  }
0x16: {  	s3 =	sld [smem:$0x3FDB];
	s0 =	simm.s32 @p2 $0x1  }
0x17: {  	s4 =	simm.s32 $0x1BF5;
	[smem:$0x3FB5] =	sst s0  }
0x18: {  	s0 =	sld [smem:$0x3F98];
	_ =	swait.ge [sflag:s4], $0x0  }
0x19: {  	s7 =	sld [smem:$0x3F99]  }
0x1a: {  	s8 =	sadd.s32 $0xFFFFE003, lr  }
0x1b: {  	s9 =	sadd.s32 $0xFFFFFEF7, lr;
	s5 =	simm.s32 $0xFFFFFFFF;
	p2 =	slt.u32 s8, $0xFFFFF086  }
0x1c: {  	p1 =	slt.u32 s9, $0xF7A;
	s5 =	simm.s32 @!p2 $0x0  }
0x1d: {  	s5 =	simm.s32 @p1 $0x1;
	p0 =	seq.s32 s7, s2  }
0x1e: {  	s7 =	smul.u32 @!p0 $0xF7A, s2;
	p2 =	seq.s32 @!p0 s5, $0x0  }
0x1f: {  	s9 =	smul.u32 $0xF7A, s1;
	s8 =	simm.s32 @!p0 $0x1BF5;
	p2 =	por !p2, p0  }
0x20: {  	[sflag:s8] =	ssyncset.s32 @!p0 $0xFFFFF086;
	s6 =	sadd.s32 @!p0 s3, s7;
	s7 =	simm.s32 @!p0 $0x108  }
0x21: {  	s3 =	sadd.s32 s3, s9;
	s6 =	sadd.s32 @!p0 $0x88, s6;
	s7 =	simm.s32 @p2 $0x1082  }
0x22: {  	[simem:s7], [sflag:s8] =	dma.local @!p0 [hbm:s6], $0xF7A  }
0x23: {  	s9 =	sor.u32 $0xD0000000, s2;
	s6 =	simm.s32 $0x108;
	_ =	swait.ge @!p0 [sflag:s8], $0x0  }
0x24: {  	s3 =	sadd.s32 $0x88, s3;
	s6 =	simm.s32 @!p1 $0x1082;
	[sflag:s4] =	ssyncset.s32 $0xFFFFF086  }
0x25: {  	[simem:s6], [sflag:s4] =	dma.local [hbm:s3], $0xF7A  }
0x26: {  	[smem:$0x3F99] =	sst s1;
	(tag) =	ssettag s2;
	_ =	strace s9  }
0x27: {  	s1 =	sld [smem:$0x3FA9]  }
0x28: {  	s2 =	sld [smem:$0x3FAA]  }
0x29: {  	s4 =	sld [smem:$0x3FAC]  }
0x2a: {  	p0 =	seq.s32 s5, $0x0;
	s5 =	sld [smem:$0x3FAD]  }
0x2b: {  	s6 =	sld [smem:$0x3FAE]  }
0x2c: {  	s7 =	sld [smem:$0x3FAF]  }
0x2d: {  	s3 =	simm.s32 $0x108;
	s8 =	sld [smem:$0x3FB0]  }
0x2e: {  	s3 =	simm.s32 @!p0 $0x1082;
	s9 =	sld [smem:$0x3FB1]  }
0x2f: {  	lr =	sadd.s32 s0, s3;
	s0 =	sld [smem:$0x3FA8]  }
0x30: {  	s3 =	sld [smem:$0x3FAB]  }
0x31: {  	[smem:$0x3FB4] =	sst s10  }
0x32: {  	s10 =	sld [smem:$0x3FB2];
	_ =	sdelay $0x3  }
0x33: {  	p0 =	seq.s32 s10, $0x1;
	s10 =	sld [smem:$0x3FB4];
	_ =	sdelay $0x3  }
0x34: {  	[smem:$0x3FB4] =	sst s10  }
0x35: {  	s10 =	sld [smem:$0x3FB3];
	_ =	sdelay $0x3  }
0x36: {  	p1 =	seq.s32 s10, $0x1;
	s10 =	sld [smem:$0x3FB4];
	_ =	sdelay $0x3  }
0x37: {  	[smem:$0x3FB4] =	sst s10  }
0x38: {  	s10 =	sld [smem:$0x3FB5]  }
0x39: {  	_ = 	snop;
	(pc) =	sbr.ind lr, $3  }
0x3a: {  	_ = 	snop  }
0x3b: {  	_ = 	snop  }
0x3c: {  	p2 =	seq.s32 s10, $0x1;
	s10 =	sld [smem:$0x3FB4]  }
0x3d: {  	_ =	shalt  }
0x3e: {  	_ =	shalt  }
0x3f: {  	_ =	shalt  }
0x40: {  	_ =	shalt  }
0x41: {  	_ =	shalt  }
0x42: {  	_ =	shalt  }
0x43: {  	_ =	shalt  }
0x44: {  	_ =	shalt  }
0x45: {  	_ =	shalt  }
0x46: {  	_ =	shalt  }
0x47: {  	_ =	shalt  }
0x48: {  	_ =	shalt  }
0x49: {  	_ =	shalt  }
0x4a: {  	_ =	shalt  }
0x4b: {  	_ =	shalt  }
0x4c: {  	_ =	shalt  }
0x4d: {  	_ =	shalt  }
0x4e: {  	_ =	shalt  }
0x4f: {  	_ =	shalt  }
0x50: {  	_ =	shalt  }
0x51: {  	_ =	shalt  }
0x52: {  	_ =	shalt  }
0x53: {  	_ =	shalt  }
0x54: {  	_ =	shalt  }
0x55: {  	_ =	shalt  }
0x56: {  	_ =	shalt  }
0x57: {  	_ =	shalt  }
0x58: {  	_ =	shalt  }
0x59: {  	_ =	shalt  }
0x5a: {  	_ =	shalt  }
0x5b: {  	_ =	shalt  }
0x5c: {  	_ =	shalt  }
0x5d: {  	_ =	shalt  }
0x5e: {  	_ =	shalt  }
0x5f: {  	_ =	shalt  }
0x60: {  	_ =	shalt  }
0x61: {  	_ =	shalt  }
0x62: {  	_ =	shalt  }
0x63: {  	_ =	shalt  }
0x64: {  	_ =	shalt  }
0x65: {  	_ =	shalt  }
0x66: {  	_ =	shalt  }
0x67: {  	_ =	shalt  }
0x68: {  	_ =	shalt  }
0x69: {  	_ =	shalt  }
0x6a: {  	_ =	shalt  }
0x6b: {  	_ =	shalt  }
0x6c: {  	_ =	shalt  }
0x6d: {  	_ =	shalt  }
0x6e: {  	_ =	shalt  }
0x6f: {  	_ =	shalt  }
0x70: {  	_ =	shalt  }
0x71: {  	_ =	shalt  }
0x72: {  	_ =	shalt  }
0x73: {  	_ =	shalt  }
0x74: {  	_ =	shalt  }
0x75: {  	_ =	shalt  }
0x76: {  	_ =	shalt  }
0x77: {  	_ =	shalt  }
0x78: {  	_ =	shalt  }
0x79: {  	_ =	shalt  }
0x7a: {  	_ =	shalt  }
0x7b: {  	_ =	shalt  }
0x7c: {  	_ =	shalt  }
0x7d: {  	_ =	shalt  }
0x7e: {  	_ =	shalt  }
0x7f: {  	_ =	shalt  }
0x80: {  	_ =	shalt  }
0x81: {  	_ =	shalt  }
0x82: {  	_ =	shalt  }
0x83: {  	_ =	shalt  }
0x84: {  	_ =	shalt  }
0x85: {  	_ =	shalt  }
0x86: {  	_ =	shalt  }
0x87: {  	_ =	shalt  }
.Lfunc_end0:
.L_simem_size_0:
called_computation.1_lowered:
.L_overlay_start_0:
0x88: {  	s2 =	sld [smem:$0x3FD9]  }
0x89: {  	s3 =	sld [smem:$0x3FFE];
	_ =	sdelay $0x1  }
0x8a: {  	s1 =	srdreg.scid  }
0x8b: {  	s0 =	sand.u32 $0x1, s1  }
0x8c: {  	s17 =	sshll.u32 s0, $0xA;
	s2 =	sadd.s32 s3, s2  }
0x8d: {  	s2 =	sadd.s32 s2, s17  }
0x8e: {  	[smem:$0x3FC0] =	sst s2  }
0x8f: {  	_ = 	snop  }
0x90: {  	s2 =	sld [smem:$0x3FC9]  }
0x91: {  	s18 =	sld [smem:$0x3FD0];
	(tm) =	ssettm $0x1  }
0x92: {  	s4 =	sld [smem:$0x3FFB];
	_ =	sdelay $0x3  }
0x93: {  	_ =	strace s4  }
0x94: {  	s4 =	sld [smem:$0x3FFC];
	_ =	sdelay $0x3  }
0x95: {  	_ =	strace s4  }
0x96: {  	s4 =	sld [smem:$0x3FFD];
	_ =	sdelay $0x3  }
0x97: {  	_ =	strace s4  }
0x98: {  	_ =	strace $0x8FFFFFFF  }
0x99: {  	s19 =	sld [smem:$0x3FDB];
	_ =	sdelay $0x1  }
0x9a: {  	s5 =	simm.s32 $_scs_section_size  }
0x9b: {  	s6 =	simm.s32 $_size__tile_overlayer_lowered;
	s7 =	simm.s32 $_tile_overlayer_lowered  }
0x9c: {  	s22 =	simm.s32 $0x1BFF;
	s21 =	sshll.u32 s7, $0x1;
	s4 =	sadd.s32 s5, s19  }
0x9d: {  	s8 =	simm.s32 $0x0;
	s20 =	sshll.u32 s6, $0x1;
	s6 =	sadd.s32 s21, s4  }
0x9e: {  	[timem:s8], [sflag:s22] =	dma.local [hbm:s6], s20  }
0x9f: {  	_ =	swait.ge [sflag:s22], s20  }
0xa0: {  	s5 =	ssub.s32 $0x0, s20;
	[sflag:s22] =	ssyncset.done $0x0  }
0xa1: {  	[sflag:s22] =	ssyncadd.s32 s5;
	_ =	sdelay $0x1  }
0xa2: {  	s23 =	simm.s32 $0x1B8B  }
0xa3: {  	_ =	swait.ge [sflag:s23], $0x1  }
0xa4: {  	[sflag:s23] =	ssyncset.done $0x0  }
0xa5: {  	s25 =	simm.s32 $0x1B8E;
	s24 =	sld [smem:$0x3FFE];
	[sflag:s23] =	ssyncadd.s32 $0xFFFFFFFF  }
0xa6: {  	s26 =	simm.s32 $execute0_lowered;
	[smem:$0x3FD2] =	sst s25  }
0xa7: {  	s6 =	sshll.u32 s26, $0x1;
	_ =	strace $0x80000049;
	[dreg:$0x1] =	wrdreg $0xFFFFFFFF  }
0xa8: {  	s28 =	simm.s32 $_size_execute0_lowered;
	s4 =	sadd.s32 s4, s6;
	[dreg:$0x0] =	wrdreg $0x0  }
0xa9: {  	s6 =	sshll.u32 s28, $0x1;
	[dreg:$0x2] =	wrdreg s4  }
0xaa: {  	[dreg:$0x3] =	wrdreg s6  }
0xab: {  	[dreg:$0x4] =	wrdreg $0xC0  }
0xac: {  	_ =	task [dreg:s8], $0x5FFFF  }
0xad: {  	[dreg:$0x1] =	wrdreg $0xFFFFFFFF  }
0xae: {  	[dreg:$0x0] =	wrdreg $0x60  }
0xaf: {  	[dreg:$0x2] =	wrdreg s18  }
0xb0: {  	[dreg:$0x3] =	wrdreg s2  }
0xb1: {  	[dreg:$0x4] =	wrdreg s24  }
0xb2: {  	[dreg:$0x5] =	wrdreg $0x7A800  }
0xb3: {  	[dreg:$0x6] =	wrdreg $0x9  }
0xb4: {  	_ =	task.clear_ibuf [dreg:s8], $0x7FFFF;
	_ =	strace $0x90000049  }
0xb5: {  	s29 =	simm.s32 $0x9;
	_ =	strace $0x8000004B  }
0xb6: {  	_ =	swait.ge [sflag:s29], $0x1  }
0xb7: {  	[sflag:s29] =	ssyncadd.s32 $0xFFFFFFFF  }
0xb8: {  	_ =	strace $0x9000004B  }
0xb9: {  	_ =	sfence  }
0xba: {  	s30 =	sld [smem:$0x0];
	_ =	sdelay $0x2  }
0xbb: {  	s31 =	sshll.u32 s1, $0xD;
	s1 =	sshrl.u32 s1, $0x2  }
0xbc: {  	s3 =	sand.u32 $0x4000, s31;
	s1 =	sadd.s32 s1, s30  }
0xbd: {  	s0 =	sor.u32 s3, s0;
	s1 =	sshll.u32 s1, $0x11  }
0xbe: {  	s0 =	sor.u32 s1, s0  }
0xbf: {  	s0 =	sadd.s32 $0x8F2B, s0  }
0xc0: {  	[sflag:s0] =	ssyncadd.remote.s32 $0x1  }
0xc1: {  	_ =	sfence.sel $0xFFFF  }
0xc2: {  	[dreg:$0x0] =	wrdreg $0xFFFFFFFF;
	(pc) =	sbr.abs _section_cstart, $3  }
0xc3: {  	[dreg:$0x1] =	wrdreg $0xFFFFFFFF  }
0xc4: {  	_ =	task.clear_ibuf [dreg:s8], $0x2FFFF;
	_ =	strace $0x9FFFFFFF  }
0xc5: {  	(tm) =	ssettm $0x7FFFFFFF  }
tec
execute0_lowered:
.L_overlay_start_1:
0x0: {  	(tag) =	ssettag $0x1  }
0x1: {  	s4 =	rddreg [dreg:$0x0]  }
0x2: {  	s0 =	rddreg [dreg:$0x1]  }
0x3: {  	s5 =	rddreg [dreg:$0x2];
	s1 =	srdreg.scid  }
0x4: {  	s7 =	stileid.u32;
	s2 =	rddreg [dreg:$0x3]  }
0x5: {  	s3 =	simm.s32 $0x0;
	s14 =	simm.s32 $0x2940;
	s15 =	simm.s32 $0x2A80  }
0x6: {  	s16 =	simm.s32 $0x2990;
	s17 =	simm.s32 $0x5280;
	s18 =	simm.s32 $0x1  }
0x7: {  	s19 =	simm.s32 $0x29E0;
	s6 =	sand.u32 $0x1, s1;
	s8 =	sshll.u32 s7, $0x1  }
0x8: {  	s20 =	simm.s32 $0x2A30;
	s1 =	rddreg [dreg:$0x4];
	s8 =	sor.u32 s6, s8  }
0x9: {  	s21 =	simm.s32 $0x0;
	[smem:$0x7FF] =	sst s3;
	s9 =	smul.u32 $0x28, s8  }
0xa: {  	s13 =	sadd.s32 $0x2000, s5;
	s6 =	ssub.s32 $0x2, s6;
	s12 =	smul.u32 $0xA000, s8  }
0xb: {  	p0 =	sne.s32 s7, $0x0;
	s11 =	sshrl.u32 s6, $0x1;
	s30 =	smul.u32 $0x1400, s8  }
0xc: {  	_ =	strace $0x8000004A;
	s11 =	ssub.s32 s6, s11;
	s10 =	sadd.s32 s9, s5  }
0xd: {  	s4 =	sadd.s32 s4, s9;
	s31 =	sshrl.u32 s12, $0x3;
	s6 =	sadd.s32 s13, s30  }
0xe: {  	s9 =	sshrl.u32 @!p0 s2, $0x3;
	s12 =	simm.s32 $0x3;
	s5 =	sadd.s32 $0x1A00, s10  }
0xf: {  	s8 =	sadd.s32 s13, s31;
	s10 =	simm.s32 $0x140;
	s13 =	simm.s32 $0x50  }
0x10: {  	s7 =	sadd.s32 $0xA00, s8;
	s8 =	smax.u32 s11, $0x1;
	s11 =	simm.s32 $0x2800  }
.LBB2_1:
0x11: {  	s22 =	simm.s32 @!p0 $0x1C02  }
0x12: {  	[spmem:s9], [sflag:s22] =	dma.local @!p0 [hbm:s0], $0x27100  }
0x13: {  	[tilespmem:s3], [sflag:$0x3] =	stream.strided.gather [hbm4b:s4+s10], $0x2800, s11, s10, $0x38;
	[tilespmem:$0x1B300] =	vst v63  }
0x14: {  	_ =	swait.ge [sflag:s12], $0x2800  }
0x15: {  	[sflag:s12] =	ssyncset.done $0x0  }
0x16: {  	s22 =	simm.s32 $0x0;
	[sflag:s12] =	ssyncadd.s32 $0xFFFFD800  }
0x17: {  	v0 =	vld [tilespmem:s22+$0x0]  }
0x18: {  	v1 =	vld [tilespmem:s22+$0x140]  }
0x19: {  	v2 =	vld [tilespmem:s22+$0x280]  }
0x1a: {  	v3 =	vld [tilespmem:s22+$0x3C0]  }
0x1b: {  	v4 =	vld [tilespmem:s22+$0x500]  }
0x1c: {  	v6 =	vld [tilespmem:s22+$0x640];
	v5 =	vshra.s32 v0, $0x1F  }
0x1d: {  	vm0 =	vlt.s32 v1, $0x0;
	v0 =	vor.u32 v5, v0;
	v5 =	vld [tilespmem:s22+$0x780]  }
0x1e: {  	v0 =	vsel vm0, v0, v1;
	vm0 =	vlt.s32 v2, $0x0;
	v1 =	vld [tilespmem:s22+$0x8C0]  }
0x1f: {  	v0 =	vsel vm0, v0, v2;
	vm0 =	vlt.s32 v3, $0x0;
	v2 =	vld [tilespmem:s22+$0xA00]  }
0x20: {  	v0 =	vsel vm0, v0, v3;
	vm0 =	vlt.s32 v4, $0x0;
	v3 =	vld [tilespmem:s22+$0xB40]  }
0x21: {  	v0 =	vsel vm0, v0, v4;
	vm0 =	vlt.s32 v6, $0x0;
	v4 =	vld [tilespmem:s22+$0xC80]  }
0x22: {  	v0 =	vsel vm0, v0, v6;
	vm0 =	vlt.s32 v5, $0x0;
	v6 =	vld [tilespmem:s22+$0xDC0]  }
0x23: {  	v0 =	vsel vm0, v0, v5;
	vm0 =	vlt.s32 v1, $0x0;
	v5 =	vld [tilespmem:s22+$0xF00]  }
0x24: {  	v0 =	vsel vm0, v0, v1;
	vm0 =	vlt.s32 v2, $0x0;
	v1 =	vld [tilespmem:s22+$0x1040]  }
0x25: {  	v0 =	vsel vm0, v0, v2;
	vm0 =	vlt.s32 v3, $0x0;
	v2 =	vld [tilespmem:s22+$0x1180]  }
0x26: {  	v0 =	vsel vm0, v0, v3;
	vm0 =	vlt.s32 v4, $0x0;
	v3 =	vld [tilespmem:s22+$0x12C0]  }
0x27: {  	v0 =	vsel vm0, v0, v4;
	vm0 =	vlt.s32 v6, $0x0;
	v4 =	vld [tilespmem:s22+$0x1400]  }
0x28: {  	v0 =	vsel vm0, v0, v6;
	vm0 =	vlt.s32 v5, $0x0;
	v6 =	vld [tilespmem:s22+$0x1540]  }
0x29: {  	v0 =	vsel vm0, v0, v5;
	vm0 =	vlt.s32 v1, $0x0;
	v5 =	vld [tilespmem:s22+$0x1680]  }
0x2a: {  	v0 =	vsel vm0, v0, v1;
	vm0 =	vlt.s32 v2, $0x0;
	v1 =	vld [tilespmem:s22+$0x17C0]  }
0x2b: {  	v0 =	vsel vm0, v0, v2;
	vm0 =	vlt.s32 v3, $0x0;
	v2 =	vld [tilespmem:s22+$0x1900]  }
0x2c: {  	v0 =	vsel vm0, v0, v3;
	vm0 =	vlt.s32 v4, $0x0;
	v3 =	vld [tilespmem:s22+$0x1A40]  }
0x2d: {  	v0 =	vsel vm0, v0, v4;
	vm0 =	vlt.s32 v6, $0x0;
	v4 =	vld [tilespmem:s22+$0x1B80]  }
0x2e: {  	v0 =	vsel vm0, v0, v6;
	vm0 =	vlt.s32 v5, $0x0;
	v6 =	vld [tilespmem:s22+$0x1CC0]  }
0x2f: {  	v0 =	vsel vm0, v0, v5;
	vm0 =	vlt.s32 v1, $0x0;
	v5 =	vld [tilespmem:s22+$0x1E00]  }
0x30: {  	v7 =	vld [tilespmem:s22+$0x1F40];
	v0 =	vsel vm0, v0, v1;
	vm0 =	vlt.s32 v2, $0x0  }
0x31: {  	v1 =	vsel vm0, v0, v2;
	vm0 =	vlt.s32 v3, $0x0;
	v0 =	vld [tilespmem:s22+$0x2080]  }
0x32: {  	v2 =	vsel vm0, v1, v3;
	vm0 =	vlt.s32 v4, $0x0;
	v1 =	vld [tilespmem:s22+$0x21C0]  }
0x33: {  	v3 =	vsel vm0, v2, v4;
	vm0 =	vlt.s32 v6, $0x0;
	v2 =	vld [tilespmem:s22+$0x2300]  }
0x34: {  	v4 =	vsel vm0, v3, v6;
	vm0 =	vlt.s32 v5, $0x0;
	v3 =	vld [tilespmem:s22+$0x2440]  }
0x35: {  	v5 =	vsel vm0, v4, v5;
	vm0 =	vlt.s32 v7, $0x0;
	v4 =	vld [tilespmem:s22+$0x2580]  }
0x36: {  	s23 =	simm.s32 $0x10;
	s24 =	simm.s32 $0x80;
	v6 =	vsel vm0, v5, v7;
	vm0 =	vlt.s32 v0, $0x0;
	v5 =	vld [tilespmem:s22+$0x26C0]  }
.LBB2_2:
0x37: {  	p1 =	sne.s32 s24, $0x4C0;
	v7 =	vld [tilespmem:s23+$0x0];
	v0 =	vsel vm0, v6, v0;
	vm0 =	vlt.s32 v1, $0x0  }
0x38: {  	v6 =	vld [tilespmem:s23+$0x140];
	v0 =	vsel vm0, v0, v1;
	vm0 =	vlt.s32 v2, $0x0  }
0x39: {  	v1 =	vld [tilespmem:s23+$0x280];
	v0 =	vsel vm0, v0, v2;
	vm0 =	vlt.s32 v3, $0x0  }
0x3a: {  	v2 =	vld [tilespmem:s23+$0x3C0];
	v0 =	vsel vm0, v0, v3;
	vm0 =	vlt.s32 v4, $0x0  }
0x3b: {  	v3 =	vld [tilespmem:s23+$0x500];
	v0 =	vsel vm0, v0, v4;
	vm0 =	vlt.s32 v5, $0x0  }
0x3c: {  	v4 =	vshra.s32 v7, $0x1F;
	v8 =	vld [tilespmem:s23+$0x640];
	v0 =	vsel vm0, v0, v5  }
0x3d: {  	v4 =	vor.u32 v4, v7;
	vm0 =	vlt.s32 v6, $0x0;
	v5 =	vld [tilespmem:s23+$0x780];
	[tilespmem:s22+$0x2800] =	vst v0;
	vm1 =	vgt.s32 v0, $0x0  }
0x3e: {  	v4 =	vsel vm0, v4, v6;
	vm0 =	vlt.s32 v1, $0x0;
	v6 =	vld [tilespmem:s23+$0x8C0];
	v0 =	vnsel vm1, $0x0, v0  }
0x3f: {  	v1 =	vsel vm0, v4, v1;
	vm0 =	vlt.s32 v2, $0x0;
	v4 =	vld [tilespmem:s23+$0xA00];
	v0 =	vand.u32 $0x3FFF, v0  }
0x40: {  	v1 =	vsel vm0, v1, v2;
	vm0 =	vlt.s32 v3, $0x0;
	v2 =	vld [tilespmem:s23+$0xB40];
	[tilespmem:s22+$0x2940] =	vst v0;
	s22 =	smov.u32 s23  }
0x41: {  	v0 =	vsel vm0, v1, v3;
	vm0 =	vlt.s32 v8, $0x0;
	v1 =	vld [tilespmem:s22+$0xC80]  }
0x42: {  	v0 =	vsel vm0, v0, v8;
	vm0 =	vlt.s32 v5, $0x0;
	v3 =	vld [tilespmem:s22+$0xDC0]  }
0x43: {  	v0 =	vsel vm0, v0, v5;
	vm0 =	vlt.s32 v6, $0x0;
	v5 =	vld [tilespmem:s22+$0xF00]  }
0x44: {  	v0 =	vsel vm0, v0, v6;
	vm0 =	vlt.s32 v4, $0x0;
	v6 =	vld [tilespmem:s22+$0x1040]  }
0x45: {  	v0 =	vsel vm0, v0, v4;
	vm0 =	vlt.s32 v2, $0x0;
	v4 =	vld [tilespmem:s22+$0x1180]  }
0x46: {  	v0 =	vsel vm0, v0, v2;
	vm0 =	vlt.s32 v1, $0x0;
	v2 =	vld [tilespmem:s22+$0x12C0]  }
0x47: {  	v0 =	vsel vm0, v0, v1;
	vm0 =	vlt.s32 v3, $0x0;
	v1 =	vld [tilespmem:s22+$0x1400]  }
0x48: {  	v0 =	vsel vm0, v0, v3;
	vm0 =	vlt.s32 v5, $0x0;
	v3 =	vld [tilespmem:s22+$0x1540]  }
0x49: {  	v0 =	vsel vm0, v0, v5;
	vm0 =	vlt.s32 v6, $0x0;
	v5 =	vld [tilespmem:s22+$0x1680]  }
0x4a: {  	v0 =	vsel vm0, v0, v6;
	vm0 =	vlt.s32 v4, $0x0;
	v6 =	vld [tilespmem:s22+$0x17C0]  }
0x4b: {  	v0 =	vsel vm0, v0, v4;
	vm0 =	vlt.s32 v2, $0x0;
	v4 =	vld [tilespmem:s22+$0x1900]  }
0x4c: {  	v0 =	vsel vm0, v0, v2;
	vm0 =	vlt.s32 v1, $0x0;
	v2 =	vld [tilespmem:s22+$0x1A40]  }
0x4d: {  	v0 =	vsel vm0, v0, v1;
	vm0 =	vlt.s32 v3, $0x0;
	v7 =	vld [tilespmem:s22+$0x1B80]  }
0x4e: {  	v0 =	vsel vm0, v0, v3;
	vm0 =	vlt.s32 v5, $0x0;
	v3 =	vld [tilespmem:s22+$0x1CC0]  }
0x4f: {  	v0 =	vsel vm0, v0, v5;
	vm0 =	vlt.s32 v6, $0x0;
	v5 =	vld [tilespmem:s22+$0x1E00]  }
0x50: {  	v0 =	vsel vm0, v0, v6;
	vm0 =	vlt.s32 v4, $0x0;
	v6 =	vld [tilespmem:s22+$0x1F40]  }
0x51: {  	v1 =	vsel vm0, v0, v4;
	vm0 =	vlt.s32 v2, $0x0;
	v0 =	vld [tilespmem:s22+$0x2080]  }
.Ltmp0:
0x52: {  	v2 =	vsel vm0, v1, v2;
	vm0 =	vlt.s32 v7, $0x0;
	v1 =	vld [tilespmem:s22+$0x21C0];
	(pc) =	sbr.rel @p1 .LBB2_2-.Ltmp0, $4  }
0x53: {  	v4 =	vsel vm0, v2, v7;
	vm0 =	vlt.s32 v3, $0x0;
	v2 =	vld [tilespmem:s22+$0x2300]  }
0x54: {  	v4 =	vsel vm0, v4, v3;
	vm0 =	vlt.s32 v5, $0x0;
	v3 =	vld [tilespmem:s22+$0x2440]  }
0x55: {  	v5 =	vsel vm0, v4, v5;
	vm0 =	vlt.s32 v6, $0x0;
	v4 =	vld [tilespmem:s22+$0x2580]  }
0x56: {  	s23 =	sshra.s32 s24, $0x2;
	s24 =	sadd.s32 $0x40, s24;
	v6 =	vsel vm0, v5, v6;
	vm0 =	vlt.s32 v0, $0x0;
	v5 =	vld [tilespmem:s22+$0x26C0]  }
0x57: {  	v7 =	vld [tilespmem:s23+$0x0];
	v0 =	vsel vm0, v6, v0;
	vm4 =	vlt.s32 v1, $0x0  }
0x58: {  	v30 =	vld [tilespmem:s23+$0x140];
	v0 =	vsel vm4, v0, v1;
	vm5 =	vlt.s32 v2, $0x0  }
0x59: {  	v31 =	vld [tilespmem:s23+$0x280];
	v0 =	vsel vm5, v0, v2;
	vm6 =	vlt.s32 v3, $0x0  }
0x5a: {  	v32 =	vld [tilespmem:s23+$0x3C0];
	v0 =	vsel vm6, v0, v3;
	vm7 =	vlt.s32 v4, $0x0  }
0x5b: {  	v33 =	vld [tilespmem:s23+$0x500];
	v0 =	vsel vm7, v0, v4;
	vm8 =	vlt.s32 v5, $0x0  }
0x5c: {  	v34 =	vld [tilespmem:s23+$0x640];
	v0 =	vsel vm8, v0, v5;
	v8 =	vshra.s32 v7, $0x1F  }
0x5d: {  	v35 =	vld [tilespmem:s23+$0x780];
	vm9 =	vlt.s32 v30, $0x0;
	[tilespmem:s22+$0x2800] =	vst v0;
	v7 =	vor.u32 v8, v7;
	vm1 =	vgt.s32 v0, $0x0  }
0x5e: {  	vm10 =	vlt.s32 v31, $0x0;
	v36 =	vld [tilespmem:s23+$0x8C0];
	v6 =	vsel vm9, v7, v30;
	v0 =	vnsel vm1, $0x0, v0  }
0x5f: {  	vm11 =	vlt.s32 v32, $0x0;
	v37 =	vld [tilespmem:s23+$0xA00];
	v1 =	vsel vm10, v6, v31;
	v0 =	vand.u32 $0x3FFF, v0  }
0x60: {  	vm12 =	vlt.s32 v33, $0x0;
	v38 =	vld [tilespmem:s23+$0xB40];
	v1 =	vsel vm11, v1, v32;
	[tilespmem:s22+$0x2940] =	vst v0  }
0x61: {  	vm13 =	vlt.s32 v34, $0x0;
	v39 =	vsel vm12, v1, v33;
	v40 =	vld [tilespmem:s23+$0xC80]  }
0x62: {  	vm14 =	vlt.s32 v35, $0x0;
	v41 =	vld [tilespmem:s23+$0xDC0];
	v0 =	vsel vm13, v39, v34  }
0x63: {  	v42 =	vld [tilespmem:s23+$0xF00];
	v0 =	vsel vm14, v0, v35;
	vm15 =	vlt.s32 v36, $0x0  }
0x64: {  	v43 =	vld [tilespmem:s23+$0x1040];
	vm4 =	vlt.s32 v37, $0x0;
	v0 =	vsel vm15, v0, v36  }
0x65: {  	v44 =	vld [tilespmem:s23+$0x1180];
	vm5 =	vlt.s32 v38, $0x0;
	v0 =	vsel vm4, v0, v37  }
0x66: {  	v45 =	vld [tilespmem:s23+$0x12C0];
	v0 =	vsel vm5, v0, v38;
	vm6 =	vlt.s32 v40, $0x0  }
0x67: {  	v46 =	vld [tilespmem:s23+$0x1400];
	vm7 =	vlt.s32 v41, $0x0;
	v0 =	vsel vm6, v0, v40  }
0x68: {  	v47 =	vld [tilespmem:s23+$0x1540];
	vm8 =	vlt.s32 v42, $0x0;
	v0 =	vsel vm7, v0, v41  }
0x69: {  	v48 =	vld [tilespmem:s23+$0x1680];
	vm9 =	vlt.s32 v43, $0x0;
	v0 =	vsel vm8, v0, v42  }
0x6a: {  	v49 =	vld [tilespmem:s23+$0x17C0];
	vm10 =	vlt.s32 v44, $0x0;
	v0 =	vsel vm9, v0, v43  }
0x6b: {  	v50 =	vld [tilespmem:s23+$0x1900];
	vm11 =	vlt.s32 v45, $0x0;
	v0 =	vsel vm10, v0, v44  }
0x6c: {  	v51 =	vld [tilespmem:s23+$0x1A40];
	vm12 =	vlt.s32 v46, $0x0;
	v0 =	vsel vm11, v0, v45  }
0x6d: {  	v52 =	vld [tilespmem:s23+$0x1B80];
	vm13 =	vlt.s32 v47, $0x0;
	v0 =	vsel vm12, v0, v46  }
0x6e: {  	v53 =	vld [tilespmem:s23+$0x1CC0];
	vm14 =	vlt.s32 v48, $0x0;
	v0 =	vsel vm13, v0, v47  }
0x6f: {  	v54 =	vld [tilespmem:s23+$0x1E00];
	vm15 =	vlt.s32 v49, $0x0;
	v0 =	vsel vm14, v0, v48  }
0x70: {  	v55 =	vld [tilespmem:s23+$0x1F40];
	vm4 =	vlt.s32 v50, $0x0;
	v0 =	vsel vm15, v0, v49  }
0x71: {  	v56 =	vld [tilespmem:s23+$0x2080];
	vm5 =	vlt.s32 v51, $0x0;
	v0 =	vsel vm4, v0, v50  }
0x72: {  	v57 =	vld [tilespmem:s23+$0x21C0];
	vm6 =	vlt.s32 v52, $0x0;
	v0 =	vsel vm5, v0, v51  }
0x73: {  	v58 =	vld [tilespmem:s23+$0x2300];
	vm7 =	vlt.s32 v53, $0x0;
	v0 =	vsel vm6, v0, v52  }
0x74: {  	v59 =	vld [tilespmem:s23+$0x2440];
	vm8 =	vlt.s32 v54, $0x0;
	v0 =	vsel vm7, v0, v53  }
0x75: {  	v60 =	vld [tilespmem:s23+$0x2580];
	vm9 =	vlt.s32 v55, $0x0;
	v0 =	vsel vm8, v0, v54  }
0x76: {  	v61 =	vld [tilespmem:s23+$0x26C0];
	vm10 =	vlt.s32 v56, $0x0;
	v0 =	vsel vm9, v0, v55  }
0x77: {  	vm11 =	vlt.s32 v57, $0x0;
	v0 =	vsel vm10, v0, v56  }
0x78: {  	vm12 =	vlt.s32 v58, $0x0;
	v0 =	vsel vm11, v0, v57  }
0x79: {  	vm13 =	vlt.s32 v59, $0x0;
	v0 =	vsel vm12, v0, v58  }
0x7a: {  	vm14 =	vlt.s32 v60, $0x0;
	v0 =	vsel vm13, v0, v59  }
0x7b: {  	vm15 =	vlt.s32 v61, $0x0;
	v0 =	vsel vm14, v0, v60  }
0x7c: {  	v0 =	vsel vm15, v0, v61  }
0x7d: {  	vm0 =	vgt.s32 v0, $0x0  }
0x7e: {  	v62 =	vnsel vm0, $0x0, v0  }
0x7f: {  	[tilespmem:s23+$0x2800] =	vst v0;
	v63 =	vand.u32 $0x3FFF, v62  }
0x80: {  	s22 =	simm.s32 @!p0 $0x2;
	[tilespmem:s23+$0x2940] =	vst v63  }
0x81: {  	_ =	swait.ge @!p0 [sflag:s22], $0x27100  }
0x82: {  	[sflag:s22] =	ssyncset.done @!p0 $0x0  }
0x83: {  	[sflag:s22] =	ssyncadd.s32 @!p0 $0xFFFD8F00  }
0x84: {  	[bflag:$0x0] =	sbarrier.arrive $0xFFFF  }
0x85: {  	[hbm4b:s5+s3] =	stream.linear.scatter [tilespmem:s11], [sflag:$0x3], $0x140, $0x38;
	[tilespmem:$0x1B300] =	vst v63  }
0x86: {  	_ =	swait.ge [sflag:s12], $0x140  }
0x87: {  	[sflag:s12] =	ssyncset.done $0x0  }
0x88: {  	[sflag:s12] =	ssyncadd.s32 $0xFFFFFEC0  }
0x89: {  	[tilespmem:s15], [sflag:$0x1] =	stream.indirect.gather [spmem:s2], $0x80, s14, s13, $0xb8;
	[tilespmem:$0x1B300] =	vst v63  }
0x8a: {  	_ = 	snop  }
0x8b: {  	[tilespmem:s17], [sflag:$0x1] =	stream.indirect.gather [spmem:s2], $0x80, s16, s13, $0xb8;
	[tilespmem:$0x1B300] =	vst v63  }
0x8c: {  	_ =	swait.ge [sflag:s18], $0x2800  }
0x8d: {  	[sflag:s18] =	ssyncset.done $0x0  }
0x8e: {  	[sflag:s18] =	ssyncadd.s32 $0xFFFFD800  }
0x8f: {  	_ =	swait.ge [sflag:s18], $0x2800  }
0x90: {  	[sflag:s18] =	ssyncset.done $0x0  }
0x91: {  	[sflag:s18] =	ssyncadd.s32 $0xFFFFD800  }
0x92: {  	[hbm4b:s6+s3] =	stream.linear.scatter [tilespmem:s15], [sflag:$0x3], $0x5000, $0x38;
	[tilespmem:$0x1B300] =	vst v63  }
0x93: {  	_ =	swait.ge [sflag:s12], $0x5000  }
0x94: {  	[sflag:s12] =	ssyncset.done $0x0  }
0x95: {  	[sflag:s12] =	ssyncadd.s32 $0xFFFFB000  }
0x96: {  	[tilespmem:s15], [sflag:$0x1] =	stream.indirect.gather [spmem:s2], $0x80, s19, s13, $0xb8;
	[tilespmem:$0x1B300] =	vst v63  }
0x97: {  	_ = 	snop  }
0x98: {  	[tilespmem:s17], [sflag:$0x1] =	stream.indirect.gather [spmem:s2], $0x80, s20, s13, $0xb8;
	[tilespmem:$0x1B300] =	vst v63  }
0x99: {  	_ =	swait.ge [sflag:s18], $0x2800  }
0x9a: {  	[sflag:s18] =	ssyncset.done $0x0  }
0x9b: {  	[sflag:s18] =	ssyncadd.s32 $0xFFFFD800  }
0x9c: {  	s21 =	sadd.s32 $0x1, s21;
	_ =	swait.ge [sflag:s18], $0x2800  }
0x9d: {  	p1 =	sne.s32 s21, s8;
	[sflag:s18] =	ssyncset.done $0x0  }
.Ltmp1:
0x9e: {  	[sflag:s18] =	ssyncadd.s32 $0xFFFFD800;
	(pc) =	sbr.rel @p1 .LBB2_1-.Ltmp1, $4  }
0x9f: {  	[hbm4b:s7+s3] =	stream.linear.scatter [tilespmem:s15], [sflag:$0x3], $0x5000, $0x38;
	[tilespmem:$0x1B300] =	vst v63  }
0xa0: {  	_ =	swait.ge [sflag:s12], $0x5000  }
0xa1: {  	[sflag:s12] =	ssyncset.done $0x0  }
0xa2: {  	[sflag:s12] =	ssyncadd.s32 $0xFFFFB000  }
0xa3: {  	_ =	sfence.sel $0x180000  }
0xa4: {  	[bflag:$0x0] =	sbarrier.arrive $0xFFFF  }
0xa5: {  	_ =	strace $0x9000004A  }
0xa6: {  	s0 =	sadd.s32 @!p0 $0x100000, s1;
	[bflag:$0x2] =	sbarrier.arrive $0xFFFF  }
0xa7: {  	[sflag:s0] =	ssyncadd.tile.s32 @!p0 $0x1;
	_ =	shalt  }
.Lfunc_end2:
_tile_overlayer_lowered:
.L_overlay_start_2:
0xa8: {  	(tag) =	ssettag $0x2  }
0xa9: {  	s0 =	rddreg [dreg:$0x0];
	s2 =	stileid.u32  }
0xaa: {  	s1 =	rddreg [dreg:$0x1];
	p0 =	sne.s32 s2, $0x0  }
0xab: {  	s3 =	rddreg [dreg:$0x2];
	[bflag:$0x3] =	sbarrier.arrive $0xFFFF;
	s2 =	simm.s32 @!p0 $0x1C03  }
0xac: {  	[timem:s3], [sflag:s2] =	dma.local @!p0 [hbm:s0], s1  }
0xad: {  	s0 =	simm.s32 @!p0 $0x3  }
0xae: {  	_ =	swait.ge @!p0 [sflag:s0], s1  }
0xaf: {  	s1 =	ssub.s32 @!p0 $0x0, s1;
	[sflag:s0] =	ssyncset.done @!p0 $0x0  }
0xb0: {  	[sflag:s0] =	ssyncadd.s32 @!p0 s1  }
0xb1: {  	[bflag:$0x3] =	sbarrier.arrive $0xFFFF  }
0xb2: {  	_ =	shalt  }

</sc_bundles>
